<compile_context>
chip_gen: v7x
topology: tpu7x:2x2x1
jax: 0.10.2.dev20260603
libtpu: 0.0.44.dev20260713+nightly
codegen_flags: <defaults>
</compile_context>

<pallas_src>
import jax
import jax.numpy as jnp
from jax import lax
from jax.experimental import pallas as pl
from jax.experimental.pallas import tpu as pltpu
from jax.experimental.pallas import tpu_sc as plsc

_EMB = 64
_B = 1024
_L = 200

_NC = 2
_NS = 16
_NW = _NC * _NS
_BPW = _B // _NW
_CHA = 128
_CHB = _L - _CHA
_RING = 4

_TPW = _BPW * _L


def _posseg_body(pos_ref, seg_ref, out_ref):
    seg = seg_ref[...]
    pos = pos_ref[...]
    out_ref[...] = seg[:, None, :] + pos[None, :, :]


def _posseg(pos_table, seg_table):
    out = pl.pallas_call(
        _posseg_body,
        out_shape=jax.ShapeDtypeStruct((3, _L, _EMB), jnp.float32),
    )(pos_table, seg_table)
    return out.reshape(3 * _L, _EMB)


def _sc_body(x_hbm, s_hbm, tt_hbm, ps_hbm, out_hbm,
             idx_v, psidx_v, bufa_v, bufb_v, toka_sems, tokb_sems,
             adda_sems, addb_sems, wra_sems, wrb_sems, seg_sem):
    w = lax.axis_index("s") * _NC + lax.axis_index("c")
    b0 = w * _BPW

    pltpu.sync_copy(x_hbm.at[pl.ds(b0, _BPW)], idx_v)
    for r in range(_BPW):
        pltpu.async_copy(s_hbm.at[b0 + r], psidx_v.at[pl.ds(r * _L, _L)],
                         seg_sem)
    for r in range(_BPW):
        pltpu.make_async_copy(s_hbm.at[b0 + r],
                              psidx_v.at[pl.ds(r * _L, _L)], seg_sem).wait()

    iota = lax.iota(jnp.int32, 16)

    def idx_body(g, carry):
        f = g * 16
        s16 = psidx_v[pl.ds(f, 16)]
        psidx_v[pl.ds(f, 16)] = s16 * _L + lax.rem(f + iota, _L)
        return carry

    lax.fori_loop(0, _TPW // 16, idx_body, 0)

    def chunk_refs(r, sl):
        a_tok = tt_hbm.at[idx_v.at[r, pl.ds(0, _CHA)]]
        b_tok = tt_hbm.at[idx_v.at[r, pl.ds(_CHA, _CHB)]]
        a_ps = ps_hbm.at[psidx_v.at[pl.ds(r * _L, _CHA)]]
        b_ps = ps_hbm.at[psidx_v.at[pl.ds(r * _L + _CHA, _CHB)]]
        return a_tok, b_tok, a_ps, b_ps

    def out_refs(b):
        a_out = out_hbm.at[b, pl.ds(0, _CHA), pl.ds(0, _EMB)]
        b_out = out_hbm.at[b, pl.ds(_CHA, _CHB), pl.ds(0, _EMB)]
        return a_out, b_out

    def row_body(r, carry):
        b = b0 + r
        sl = lax.rem(r, _RING)
        a_tok, b_tok, a_ps, b_ps = chunk_refs(r, sl)
        a_out, b_out = out_refs(b)

        @pl.when(r >= _RING)
        def _():
            a_out2, b_out2 = out_refs(b - _RING)
            pltpu.make_async_copy(bufa_v.at[sl], a_out2, wra_sems.at[sl]).wait()
            pltpu.make_async_copy(bufb_v.at[sl], b_out2, wrb_sems.at[sl]).wait()

        pltpu.async_copy(a_tok, bufa_v.at[sl], toka_sems.at[sl])
        pltpu.async_copy(b_tok, bufb_v.at[sl], tokb_sems.at[sl])
        pltpu.make_async_copy(a_tok, bufa_v.at[sl], toka_sems.at[sl]).wait()
        pltpu.async_copy(a_ps, bufa_v.at[sl], adda_sems.at[sl], add=True)
        pltpu.make_async_copy(b_tok, bufb_v.at[sl], tokb_sems.at[sl]).wait()
        pltpu.async_copy(b_ps, bufb_v.at[sl], addb_sems.at[sl], add=True)
        pltpu.make_async_copy(a_ps, bufa_v.at[sl], adda_sems.at[sl]).wait()
        pltpu.async_copy(bufa_v.at[sl], a_out, wra_sems.at[sl])
        pltpu.make_async_copy(b_ps, bufb_v.at[sl], addb_sems.at[sl]).wait()
        pltpu.async_copy(bufb_v.at[sl], b_out, wrb_sems.at[sl])
        return carry

    lax.fori_loop(0, _BPW, row_body, 0)

    for r in range(_BPW - _RING, _BPW):
        sl = r % _RING
        a_out, b_out = out_refs(b0 + r)
        pltpu.make_async_copy(bufa_v.at[sl], a_out, wra_sems.at[sl]).wait()
        pltpu.make_async_copy(bufb_v.at[sl], b_out, wrb_sems.at[sl]).wait()


def _sc_call(x, segment_label, token_table, posseg):
    mesh = plsc.VectorSubcoreMesh(core_axis_name="c", subcore_axis_name="s")
    fn = pl.kernel(
        _sc_body,
        out_type=jax.ShapeDtypeStruct((_B, _L, 2 * _EMB), jnp.float32),
        mesh=mesh,
        compiler_params=pltpu.CompilerParams(use_tc_tiling_on_sc=False),
        scratch_types=[
            pltpu.VMEM((_BPW, _L), jnp.int32),
            pltpu.VMEM((_TPW,), jnp.int32),
            pltpu.VMEM((_RING, _CHA, _EMB), jnp.float32),
            pltpu.VMEM((_RING, _CHB, _EMB), jnp.float32),
            pltpu.SemaphoreType.DMA((_RING,)),
            pltpu.SemaphoreType.DMA((_RING,)),
            pltpu.SemaphoreType.DMA((_RING,)),
            pltpu.SemaphoreType.DMA((_RING,)),
            pltpu.SemaphoreType.DMA((_RING,)),
            pltpu.SemaphoreType.DMA((_RING,)),
            pltpu.SemaphoreType.DMA,
        ],
    )
    return fn(x, segment_label, token_table, posseg)


def kernel(x, segment_label, token_table, pos_table, seg_table):
    posseg = _posseg(pos_table, seg_table)
    out = _sc_call(x.astype(jnp.int32), segment_label.astype(jnp.int32),
                    token_table, posseg)
    return out[:, :, :_EMB]

# --- scband reference (transcript-rebuilt; emitter-appended) ---
"""Pipeline reference for scband-bert-embeddings-55637006352616 (READ-ONLY COPY).

The authoritative reference and input builder live on the scoring server;
editing this copy changes nothing except your own understanding.
"""

import jax, jax.numpy as jnp
import numpy as np

VOCAB = 1000000
EMB = 64
B = 1024
L = 200

def setup_inputs(seed: int = 0) -> dict:
    key = jax.random.key(seed)
    k1, k2, k3, k4, k5 = jax.random.split(key, 5)
    x = jax.random.randint(k1, (B, L), 0, VOCAB)
    segment_label = jax.random.randint(k2, (B, L), 0, 3)
    token_table = jax.random.normal(k3, (VOCAB, EMB), dtype=jnp.float32) * 0.02
    pos_table = jax.random.normal(k4, (L, EMB), dtype=jnp.float32) * 0.02
    seg_table = jax.random.normal(k5, (3, EMB), dtype=jnp.float32) * 0.02
    return {"x": x, "segment_label": segment_label, "token_table": token_table, "pos_table": pos_table, "seg_table": seg_table}

def reference(x, segment_label, token_table, pos_table, seg_table):
    # token embedding lookup
    tok = jnp.take(token_table, x, axis=0)                      # [B, L, EMB]
    # position embedding: indexed by position along seq dim, broadcast over batch
    pos = jnp.take(pos_table, jnp.arange(x.shape[1]), axis=0)[None, :, :]  # [1, L, EMB]
    # segment embedding lookup (3 segments)
    seg = jnp.take(seg_table, segment_label, axis=0)            # [B, L, EMB]
    out = tok + pos + seg
    # nn.Dropout(0.01) is identity in eval mode; keep deterministic
    return out

if __name__ == "__main__":
    import jax
    _d = setup_inputs()
    print(jax.jit(kernel)(*tuple(_d.values())))

</pallas_src>

<mosaic_0001>
#map = affine_map<(d0, d1) -> (0, 0)>
#map1 = affine_map<(d0, d1) -> (0, 0, 0)>
module attributes {stable_mosaic.version = 14 : i64} {
  func.func @_sc_body(%arg0: i32, %arg1: i32, %arg2: memref<1024x200xi32, #tpu.memory_space<hbm>>, %arg3: memref<1024x200xi32, #tpu.memory_space<hbm>>, %arg4: memref<1000000x64xf32, #tpu.memory_space<hbm>>, %arg5: memref<600x64xf32, #tpu.memory_space<hbm>>, %arg6: memref<1024x200x128xf32, #tpu.memory_space<hbm>>, %arg7: memref<32x200xi32, #tpu.memory_space<vmem>>, %arg8: memref<6400xi32, #tpu.memory_space<vmem>>, %arg9: memref<4x128x64xf32, #tpu.memory_space<vmem>>, %arg10: memref<4x72x64xf32, #tpu.memory_space<vmem>>, %arg11: memref<4x!tpu.dma_semaphore, #tpu.memory_space<semaphore_mem>>, %arg12: memref<4x!tpu.dma_semaphore, #tpu.memory_space<semaphore_mem>>, %arg13: memref<4x!tpu.dma_semaphore, #tpu.memory_space<semaphore_mem>>, %arg14: memref<4x!tpu.dma_semaphore, #tpu.memory_space<semaphore_mem>>, %arg15: memref<4x!tpu.dma_semaphore, #tpu.memory_space<semaphore_mem>>, %arg16: memref<4x!tpu.dma_semaphore, #tpu.memory_space<semaphore_mem>>, %arg17: memref<!tpu.dma_semaphore, #tpu.memory_space<semaphore_mem>>) attributes {dimension_semantics = [#tpu.dimension_semantics<core_parallel>, #tpu.dimension_semantics<subcore_parallel>], iteration_bounds = array<i64: 2, 16>, scalar_prefetch = 0 : i64, scratch_operands = 11 : i64, tpu.core_type = #tpu.core_type<sc_vector_subcore>, window_params = [{transform_indices = #map}, {transform_indices = #map}, {transform_indices = #map}, {transform_indices = #map}, {transform_indices = #map1}]} {
    %mul3A = arith.constant 2 : i32
    %mul3A_0 = arith.muli %arg1, %mul3A : i32
    %add3A = arith.addi %mul3A_0, %arg0 : i32
    %mul3A_1 = arith.constant 32 : i32
    %mul3A_2 = arith.muli %add3A, %mul3A_1 : i32
    "tpu.region"() ({
      %run_scoped3A = tpu.sem_alloc : memref<!tpu.dma_semaphore, #tpu.memory_space<semaphore_mem>>
      %dma_start3A_948 = arith.constant 0 : i32
      %dma_start3A_949 = tpu.memref_slice %arg2[%mul3A_2, %dma_start3A_948] : memref<1024x200xi32, #tpu.memory_space<hbm>> -> memref<32x200xi32, #tpu.memory_space<hbm>>
      %dma_start3A_950 = arith.constant 0 : i32
      %dma_start3A_951 = tpu.memref_slice %arg2[%mul3A_2, %dma_start3A_950] : memref<1024x200xi32, #tpu.memory_space<hbm>> -> memref<32x200xi32, #tpu.memory_space<hbm>>
      tpu.enqueue_dma source(%dma_start3A_951 : memref<32x200xi32, #tpu.memory_space<hbm>>) target(%arg7 : memref<32x200xi32, #tpu.memory_space<vmem>>) target_semaphore(%run_scoped3A : memref<!tpu.dma_semaphore, #tpu.memory_space<semaphore_mem>>)
      %dma_wait3A_952 = arith.constant 0 : i32
      %dma_wait3A_953 = tpu.memref_slice %arg2[%mul3A_2, %dma_wait3A_952] : memref<1024x200xi32, #tpu.memory_space<hbm>> -> memref<32x200xi32, #tpu.memory_space<hbm>>
      %dma_wait3A_954 = arith.constant 0 : i32
      %dma_wait3A_955 = tpu.memref_slice %arg2[%mul3A_2, %dma_wait3A_954] : memref<1024x200xi32, #tpu.memory_space<hbm>> -> memref<32x200xi32, #tpu.memory_space<hbm>>
      tpu.wait_dma2 semaphore(%run_scoped3A : memref<!tpu.dma_semaphore, #tpu.memory_space<semaphore_mem>>) src(%dma_wait3A_955 : memref<32x200xi32, #tpu.memory_space<hbm>>) dst(%arg7 : memref<32x200xi32, #tpu.memory_space<vmem>>)
      tpu.yield
    }) : () -> ()
    %add3A_3 = arith.constant 0 : i32
    %add3A_4 = arith.addi %mul3A_2, %add3A_3 : i32
    %dma_start3A = arith.constant 0 : i32
    %dma_start3A_5 = tpu.memref_slice %arg8[%dma_start3A] : memref<6400xi32, #tpu.memory_space<vmem>> -> memref<200xi32, #tpu.memory_space<vmem>>
    %dma_start3A_6 = arith.constant 0 : i32
    %dma_start3A_7 = tpu.memref_slice %arg3[%add3A_4, %dma_start3A_6] : memref<1024x200xi32, #tpu.memory_space<hbm>> -> memref<1x200xi32, #tpu.memory_space<hbm>>
    %dma_start3A_8 = tpu.memref_squeeze %dma_start3A_7 : memref<1x200xi32, #tpu.memory_space<hbm>> -> memref<200xi32, #tpu.memory_space<hbm>>
    %dma_start3A_9 = arith.constant 0 : i32
    %dma_start3A_10 = tpu.memref_slice %arg8[%dma_start3A_9] : memref<6400xi32, #tpu.memory_space<vmem>> -> memref<200xi32, #tpu.memory_space<vmem>>
    %dma_start3A_11 = arith.constant 0 : i32
    %dma_start3A_12 = tpu.memref_slice %arg3[%add3A_4, %dma_start3A_11] : memref<1024x200xi32, #tpu.memory_space<hbm>> -> memref<1x200xi32, #tpu.memory_space<hbm>>
    %dma_start3A_13 = tpu.memref_squeeze %dma_start3A_12 : memref<1x200xi32, #tpu.memory_space<hbm>> -> memref<200xi32, #tpu.memory_space<hbm>>
    tpu.enqueue_dma source(%dma_start3A_13 : memref<200xi32, #tpu.memory_space<hbm>>) target(%dma_start3A_10 : memref<200xi32, #tpu.memory_space<vmem>>) target_semaphore(%arg17 : memref<!tpu.dma_semaphore, #tpu.memory_space<semaphore_mem>>)
    %add3A_14 = arith.constant 1 : i32
    %add3A_15 = arith.addi %mul3A_2, %add3A_14 : i32
    %dma_start3A_16 = arith.constant 200 : i32
    %dma_start3A_17 = tpu.memref_slice %arg8[%dma_start3A_16] : memref<6400xi32, #tpu.memory_space<vmem>> -> memref<200xi32, #tpu.memory_space<vmem>>
    %dma_start3A_18 = arith.constant 0 : i32
    %dma_start3A_19 = tpu.memref_slice %arg3[%add3A_15, %dma_start3A_18] : memref<1024x200xi32, #tpu.memory_space<hbm>> -> memref<1x200xi32, #tpu.memory_space<hbm>>
    %dma_start3A_20 = tpu.memref_squeeze %dma_start3A_19 : memref<1x200xi32, #tpu.memory_space<hbm>> -> memref<200xi32, #tpu.memory_space<hbm>>
    %dma_start3A_21 = arith.constant 200 : i32
    %dma_start3A_22 = tpu.memref_slice %arg8[%dma_start3A_21] : memref<6400xi32, #tpu.memory_space<vmem>> -> memref<200xi32, #tpu.memory_space<vmem>>
    %dma_start3A_23 = arith.constant 0 : i32
    %dma_start3A_24 = tpu.memref_slice %arg3[%add3A_15, %dma_start3A_23] : memref<1024x200xi32, #tpu.memory_space<hbm>> -> memref<1x200xi32, #tpu.memory_space<hbm>>
    %dma_start3A_25 = tpu.memref_squeeze %dma_start3A_24 : memref<1x200xi32, #tpu.memory_space<hbm>> -> memref<200xi32, #tpu.memory_space<hbm>>
    tpu.enqueue_dma source(%dma_start3A_25 : memref<200xi32, #tpu.memory_space<hbm>>) target(%dma_start3A_22 : memref<200xi32, #tpu.memory_space<vmem>>) target_semaphore(%arg17 : memref<!tpu.dma_semaphore, #tpu.memory_space<semaphore_mem>>)
    %add3A_26 = arith.constant 2 : i32
    %add3A_27 = arith.addi %mul3A_2, %add3A_26 : i32
    %dma_start3A_28 = arith.constant 400 : i32
    %dma_start3A_29 = tpu.memref_slice %arg8[%dma_start3A_28] : memref<6400xi32, #tpu.memory_space<vmem>> -> memref<200xi32, #tpu.memory_space<vmem>>
    %dma_start3A_30 = arith.constant 0 : i32
    %dma_start3A_31 = tpu.memref_slice %arg3[%add3A_27, %dma_start3A_30] : memref<1024x200xi32, #tpu.memory_space<hbm>> -> memref<1x200xi32, #tpu.memory_space<hbm>>
    %dma_start3A_32 = tpu.memref_squeeze %dma_start3A_31 : memref<1x200xi32, #tpu.memory_space<hbm>> -> memref<200xi32, #tpu.memory_space<hbm>>
    %dma_start3A_33 = arith.constant 400 : i32
    %dma_start3A_34 = tpu.memref_slice %arg8[%dma_start3A_33] : memref<6400xi32, #tpu.memory_space<vmem>> -> memref<200xi32, #tpu.memory_space<vmem>>
    %dma_start3A_35 = arith.constant 0 : i32
    %dma_start3A_36 = tpu.memref_slice %arg3[%add3A_27, %dma_start3A_35] : memref<1024x200xi32, #tpu.memory_space<hbm>> -> memref<1x200xi32, #tpu.memory_space<hbm>>
    %dma_start3A_37 = tpu.memref_squeeze %dma_start3A_36 : memref<1x200xi32, #tpu.memory_space<hbm>> -> memref<200xi32, #tpu.memory_space<hbm>>
    tpu.enqueue_dma source(%dma_start3A_37 : memref<200xi32, #tpu.memory_space<hbm>>) target(%dma_start3A_34 : memref<200xi32, #tpu.memory_space<vmem>>) target_semaphore(%arg17 : memref<!tpu.dma_semaphore, #tpu.memory_space<semaphore_mem>>)
    %add3A_38 = arith.constant 3 : i32
    %add3A_39 = arith.addi %mul3A_2, %add3A_38 : i32
    %dma_start3A_40 = arith.constant 600 : i32
    %dma_start3A_41 = tpu.memref_slice %arg8[%dma_start3A_40] : memref<6400xi32, #tpu.memory_space<vmem>> -> memref<200xi32, #tpu.memory_space<vmem>>
    %dma_start3A_42 = arith.constant 0 : i32
    %dma_start3A_43 = tpu.memref_slice %arg3[%add3A_39, %dma_start3A_42] : memref<1024x200xi32, #tpu.memory_space<hbm>> -> memref<1x200xi32, #tpu.memory_space<hbm>>
    %dma_start3A_44 = tpu.memref_squeeze %dma_start3A_43 : memref<1x200xi32, #tpu.memory_space<hbm>> -> memref<200xi32, #tpu.memory_space<hbm>>
    %dma_start3A_45 = arith.constant 600 : i32
    %dma_start3A_46 = tpu.memref_slice %arg8[%dma_start3A_45] : memref<6400xi32, #tpu.memory_space<vmem>> -> memref<200xi32, #tpu.memory_space<vmem>>
    %dma_start3A_47 = arith.constant 0 : i32
    %dma_start3A_48 = tpu.memref_slice %arg3[%add3A_39, %dma_start3A_47] : memref<1024x200xi32, #tpu.memory_space<hbm>> -> memref<1x200xi32, #tpu.memory_space<hbm>>
    %dma_start3A_49 = tpu.memref_squeeze %dma_start3A_48 : memref<1x200xi32, #tpu.memory_space<hbm>> -> memref<200xi32, #tpu.memory_space<hbm>>
    tpu.enqueue_dma source(%dma_start3A_49 : memref<200xi32, #tpu.memory_space<hbm>>) target(%dma_start3A_46 : memref<200xi32, #tpu.memory_space<vmem>>) target_semaphore(%arg17 : memref<!tpu.dma_semaphore, #tpu.memory_space<semaphore_mem>>)
    %add3A_50 = arith.constant 4 : i32
    %add3A_51 = arith.addi %mul3A_2, %add3A_50 : i32
    %dma_start3A_52 = arith.constant 800 : i32
    %dma_start3A_53 = tpu.memref_slice %arg8[%dma_start3A_52] : memref<6400xi32, #tpu.memory_space<vmem>> -> memref<200xi32, #tpu.memory_space<vmem>>
    %dma_start3A_54 = arith.constant 0 : i32
    %dma_start3A_55 = tpu.memref_slice %arg3[%add3A_51, %dma_start3A_54] : memref<1024x200xi32, #tpu.memory_space<hbm>> -> memref<1x200xi32, #tpu.memory_space<hbm>>
    %dma_start3A_56 = tpu.memref_squeeze %dma_start3A_55 : memref<1x200xi32, #tpu.memory_space<hbm>> -> memref<200xi32, #tpu.memory_space<hbm>>
    %dma_start3A_57 = arith.constant 800 : i32
    %dma_start3A_58 = tpu.memref_slice %arg8[%dma_start3A_57] : memref<6400xi32, #tpu.memory_space<vmem>> -> memref<200xi32, #tpu.memory_space<vmem>>
    %dma_start3A_59 = arith.constant 0 : i32
    %dma_start3A_60 = tpu.memref_slice %arg3[%add3A_51, %dma_start3A_59] : memref<1024x200xi32, #tpu.memory_space<hbm>> -> memref<1x200xi32, #tpu.memory_space<hbm>>
    %dma_start3A_61 = tpu.memref_squeeze %dma_start3A_60 : memref<1x200xi32, #tpu.memory_space<hbm>> -> memref<200xi32, #tpu.memory_space<hbm>>
    tpu.enqueue_dma source(%dma_start3A_61 : memref<200xi32, #tpu.memory_space<hbm>>) target(%dma_start3A_58 : memref<200xi32, #tpu.memory_space<vmem>>) target_semaphore(%arg17 : memref<!tpu.dma_semaphore, #tpu.memory_space<semaphore_mem>>)
    %add3A_62 = arith.constant 5 : i32
    %add3A_63 = arith.addi %mul3A_2, %add3A_62 : i32
    %dma_start3A_64 = arith.constant 1000 : i32
    %dma_start3A_65 = tpu.memref_slice %arg8[%dma_start3A_64] : memref<6400xi32, #tpu.memory_space<vmem>> -> memref<200xi32, #tpu.memory_space<vmem>>
    %dma_start3A_66 = arith.constant 0 : i32
    %dma_start3A_67 = tpu.memref_slice %arg3[%add3A_63, %dma_start3A_66] : memref<1024x200xi32, #tpu.memory_space<hbm>> -> memref<1x200xi32, #tpu.memory_space<hbm>>
    %dma_start3A_68 = tpu.memref_squeeze %dma_start3A_67 : memref<1x200xi32, #tpu.memory_space<hbm>> -> memref<200xi32, #tpu.memory_space<hbm>>
    %dma_start3A_69 = arith.constant 1000 : i32
    %dma_start3A_70 = tpu.memref_slice %arg8[%dma_start3A_69] : memref<6400xi32, #tpu.memory_space<vmem>> -> memref<200xi32, #tpu.memory_space<vmem>>
    %dma_start3A_71 = arith.constant 0 : i32
    %dma_start3A_72 = tpu.memref_slice %arg3[%add3A_63, %dma_start3A_71] : memref<1024x200xi32, #tpu.memory_space<hbm>> -> memref<1x200xi32, #tpu.memory_space<hbm>>
    %dma_start3A_73 = tpu.memref_squeeze %dma_start3A_72 : memref<1x200xi32, #tpu.memory_space<hbm>> -> memref<200xi32, #tpu.memory_space<hbm>>
    tpu.enqueue_dma source(%dma_start3A_73 : memref<200xi32, #tpu.memory_space<hbm>>) target(%dma_start3A_70 : memref<200xi32, #tpu.memory_space<vmem>>) target_semaphore(%arg17 : memref<!tpu.dma_semaphore, #tpu.memory_space<semaphore_mem>>)
    %add3A_74 = arith.constant 6 : i32
    %add3A_75 = arith.addi %mul3A_2, %add3A_74 : i32
    %dma_start3A_76 = arith.constant 1200 : i32
    %dma_start3A_77 = tpu.memref_slice %arg8[%dma_start3A_76] : memref<6400xi32, #tpu.memory_space<vmem>> -> memref<200xi32, #tpu.memory_space<vmem>>
    %dma_start3A_78 = arith.constant 0 : i32
    %dma_start3A_79 = tpu.memref_slice %arg3[%add3A_75, %dma_start3A_78] : memref<1024x200xi32, #tpu.memory_space<hbm>> -> memref<1x200xi32, #tpu.memory_space<hbm>>
    %dma_start3A_80 = tpu.memref_squeeze %dma_start3A_79 : memref<1x200xi32, #tpu.memory_space<hbm>> -> memref<200xi32, #tpu.memory_space<hbm>>
    %dma_start3A_81 = arith.constant 1200 : i32
    %dma_start3A_82 = tpu.memref_slice %arg8[%dma_start3A_81] : memref<6400xi32, #tpu.memory_space<vmem>> -> memref<200xi32, #tpu.memory_space<vmem>>
    %dma_start3A_83 = arith.constant 0 : i32
    %dma_start3A_84 = tpu.memref_slice %arg3[%add3A_75, %dma_start3A_83] : memref<1024x200xi32, #tpu.memory_space<hbm>> -> memref<1x200xi32, #tpu.memory_space<hbm>>
    %dma_start3A_85 = tpu.memref_squeeze %dma_start3A_84 : memref<1x200xi32, #tpu.memory_space<hbm>> -> memref<200xi32, #tpu.memory_space<hbm>>
    tpu.enqueue_dma source(%dma_start3A_85 : memref<200xi32, #tpu.memory_space<hbm>>) target(%dma_start3A_82 : memref<200xi32, #tpu.memory_space<vmem>>) target_semaphore(%arg17 : memref<!tpu.dma_semaphore, #tpu.memory_space<semaphore_mem>>)
    %add3A_86 = arith.constant 7 : i32
    %add3A_87 = arith.addi %mul3A_2, %add3A_86 : i32
    %dma_start3A_88 = arith.constant 1400 : i32
    %dma_start3A_89 = tpu.memref_slice %arg8[%dma_start3A_88] : memref<6400xi32, #tpu.memory_space<vmem>> -> memref<200xi32, #tpu.memory_space<vmem>>
    %dma_start3A_90 = arith.constant 0 : i32
    %dma_start3A_91 = tpu.memref_slice %arg3[%add3A_87, %dma_start3A_90] : memref<1024x200xi32, #tpu.memory_space<hbm>> -> memref<1x200xi32, #tpu.memory_space<hbm>>
    %dma_start3A_92 = tpu.memref_squeeze %dma_start3A_91 : memref<1x200xi32, #tpu.memory_space<hbm>> -> memref<200xi32, #tpu.memory_space<hbm>>
    %dma_start3A_93 = arith.constant 1400 : i32
    %dma_start3A_94 = tpu.memref_slice %arg8[%dma_start3A_93] : memref<6400xi32, #tpu.memory_space<vmem>> -> memref<200xi32, #tpu.memory_space<vmem>>
    %dma_start3A_95 = arith.constant 0 : i32
    %dma_start3A_96 = tpu.memref_slice %arg3[%add3A_87, %dma_start3A_95] : memref<1024x200xi32, #tpu.memory_space<hbm>> -> memref<1x200xi32, #tpu.memory_space<hbm>>
    %dma_start3A_97 = tpu.memref_squeeze %dma_start3A_96 : memref<1x200xi32, #tpu.memory_space<hbm>> -> memref<200xi32, #tpu.memory_space<hbm>>
    tpu.enqueue_dma source(%dma_start3A_97 : memref<200xi32, #tpu.memory_space<hbm>>) target(%dma_start3A_94 : memref<200xi32, #tpu.memory_space<vmem>>) target_semaphore(%arg17 : memref<!tpu.dma_semaphore, #tpu.memory_space<semaphore_mem>>)
    %add3A_98 = arith.constant 8 : i32
    %add3A_99 = arith.addi %mul3A_2, %add3A_98 : i32
    %dma_start3A_100 = arith.constant 1600 : i32
    %dma_start3A_101 = tpu.memref_slice %arg8[%dma_start3A_100] : memref<6400xi32, #tpu.memory_space<vmem>> -> memref<200xi32, #tpu.memory_space<vmem>>
    %dma_start3A_102 = arith.constant 0 : i32
    %dma_start3A_103 = tpu.memref_slice %arg3[%add3A_99, %dma_start3A_102] : memref<1024x200xi32, #tpu.memory_space<hbm>> -> memref<1x200xi32, #tpu.memory_space<hbm>>
    %dma_start3A_104 = tpu.memref_squeeze %dma_start3A_103 : memref<1x200xi32, #tpu.memory_space<hbm>> -> memref<200xi32, #tpu.memory_space<hbm>>
    %dma_start3A_105 = arith.constant 1600 : i32
    %dma_start3A_106 = tpu.memref_slice %arg8[%dma_start3A_105] : memref<6400xi32, #tpu.memory_space<vmem>> -> memref<200xi32, #tpu.memory_space<vmem>>
    %dma_start3A_107 = arith.constant 0 : i32
    %dma_start3A_108 = tpu.memref_slice %arg3[%add3A_99, %dma_start3A_107] : memref<1024x200xi32, #tpu.memory_space<hbm>> -> memref<1x200xi32, #tpu.memory_space<hbm>>
    %dma_start3A_109 = tpu.memref_squeeze %dma_start3A_108 : memref<1x200xi32, #tpu.memory_space<hbm>> -> memref<200xi32, #tpu.memory_space<hbm>>
    tpu.enqueue_dma source(%dma_start3A_109 : memref<200xi32, #tpu.memory_space<hbm>>) target(%dma_start3A_106 : memref<200xi32, #tpu.memory_space<vmem>>) target_semaphore(%arg17 : memref<!tpu.dma_semaphore, #tpu.memory_space<semaphore_mem>>)
    %add3A_110 = arith.constant 9 : i32
    %add3A_111 = arith.addi %mul3A_2, %add3A_110 : i32
    %dma_start3A_112 = arith.constant 1800 : i32
    %dma_start3A_113 = tpu.memref_slice %arg8[%dma_start3A_112] : memref<6400xi32, #tpu.memory_space<vmem>> -> memref<200xi32, #tpu.memory_space<vmem>>
    %dma_start3A_114 = arith.constant 0 : i32
    %dma_start3A_115 = tpu.memref_slice %arg3[%add3A_111, %dma_start3A_114] : memref<1024x200xi32, #tpu.memory_space<hbm>> -> memref<1x200xi32, #tpu.memory_space<hbm>>
    %dma_start3A_116 = tpu.memref_squeeze %dma_start3A_115 : memref<1x200xi32, #tpu.memory_space<hbm>> -> memref<200xi32, #tpu.memory_space<hbm>>
    %dma_start3A_117 = arith.constant 1800 : i32
    %dma_start3A_118 = tpu.memref_slice %arg8[%dma_start3A_117] : memref<6400xi32, #tpu.memory_space<vmem>> -> memref<200xi32, #tpu.memory_space<vmem>>
    %dma_start3A_119 = arith.constant 0 : i32
    %dma_start3A_120 = tpu.memref_slice %arg3[%add3A_111, %dma_start3A_119] : memref<1024x200xi32, #tpu.memory_space<hbm>> -> memref<1x200xi32, #tpu.memory_space<hbm>>
    %dma_start3A_121 = tpu.memref_squeeze %dma_start3A_120 : memref<1x200xi32, #tpu.memory_space<hbm>> -> memref<200xi32, #tpu.memory_space<hbm>>
    tpu.enqueue_dma source(%dma_start3A_121 : memref<200xi32, #tpu.memory_space<hbm>>) target(%dma_start3A_118 : memref<200xi32, #tpu.memory_space<vmem>>) target_semaphore(%arg17 : memref<!tpu.dma_semaphore, #tpu.memory_space<semaphore_mem>>)
    %add3A_122 = arith.constant 10 : i32
    %add3A_123 = arith.addi %mul3A_2, %add3A_122 : i32
    %dma_start3A_124 = arith.constant 2000 : i32
    %dma_start3A_125 = tpu.memref_slice %arg8[%dma_start3A_124] : memref<6400xi32, #tpu.memory_space<vmem>> -> memref<200xi32, #tpu.memory_space<vmem>>
    %dma_start3A_126 = arith.constant 0 : i32
    %dma_start3A_127 = tpu.memref_slice %arg3[%add3A_123, %dma_start3A_126] : memref<1024x200xi32, #tpu.memory_space<hbm>> -> memref<1x200xi32, #tpu.memory_space<hbm>>
    %dma_start3A_128 = tpu.memref_squeeze %dma_start3A_127 : memref<1x200xi32, #tpu.memory_space<hbm>> -> memref<200xi32, #tpu.memory_space<hbm>>
    %dma_start3A_129 = arith.constant 2000 : i32
    %dma_start3A_130 = tpu.memref_slice %arg8[%dma_start3A_129] : memref<6400xi32, #tpu.memory_space<vmem>> -> memref<200xi32, #tpu.memory_space<vmem>>
    %dma_start3A_131 = arith.constant 0 : i32
    %dma_start3A_132 = tpu.memref_slice %arg3[%add3A_123, %dma_start3A_131] : memref<1024x200xi32, #tpu.memory_space<hbm>> -> memref<1x200xi32, #tpu.memory_space<hbm>>
    %dma_start3A_133 = tpu.memref_squeeze %dma_start3A_132 : memref<1x200xi32, #tpu.memory_space<hbm>> -> memref<200xi32, #tpu.memory_space<hbm>>
    tpu.enqueue_dma source(%dma_start3A_133 : memref<200xi32, #tpu.memory_space<hbm>>) target(%dma_start3A_130 : memref<200xi32, #tpu.memory_space<vmem>>) target_semaphore(%arg17 : memref<!tpu.dma_semaphore, #tpu.memory_space<semaphore_mem>>)
    %add3A_134 = arith.constant 11 : i32
    %add3A_135 = arith.addi %mul3A_2, %add3A_134 : i32
    %dma_start3A_136 = arith.constant 2200 : i32
    %dma_start3A_137 = tpu.memref_slice %arg8[%dma_start3A_136] : memref<6400xi32, #tpu.memory_space<vmem>> -> memref<200xi32, #tpu.memory_space<vmem>>
    %dma_start3A_138 = arith.constant 0 : i32
    %dma_start3A_139 = tpu.memref_slice %arg3[%add3A_135, %dma_start3A_138] : memref<1024x200xi32, #tpu.memory_space<hbm>> -> memref<1x200xi32, #tpu.memory_space<hbm>>
    %dma_start3A_140 = tpu.memref_squeeze %dma_start3A_139 : memref<1x200xi32, #tpu.memory_space<hbm>> -> memref<200xi32, #tpu.memory_space<hbm>>
    %dma_start3A_141 = arith.constant 2200 : i32
    %dma_start3A_142 = tpu.memref_slice %arg8[%dma_start3A_141] : memref<6400xi32, #tpu.memory_space<vmem>> -> memref<200xi32, #tpu.memory_space<vmem>>
    %dma_start3A_143 = arith.constant 0 : i32
    %dma_start3A_144 = tpu.memref_slice %arg3[%add3A_135, %dma_start3A_143] : memref<1024x200xi32, #tpu.memory_space<hbm>> -> memref<1x200xi32, #tpu.memory_space<hbm>>
    %dma_start3A_145 = tpu.memref_squeeze %dma_start3A_144 : memref<1x200xi32, #tpu.memory_space<hbm>> -> memref<200xi32, #tpu.memory_space<hbm>>
    tpu.enqueue_dma source(%dma_start3A_145 : memref<200xi32, #tpu.memory_space<hbm>>) target(%dma_start3A_142 : memref<200xi32, #tpu.memory_space<vmem>>) target_semaphore(%arg17 : memref<!tpu.dma_semaphore, #tpu.memory_space<semaphore_mem>>)
    %add3A_146 = arith.constant 12 : i32
    %add3A_147 = arith.addi %mul3A_2, %add3A_146 : i32
    %dma_start3A_148 = arith.constant 2400 : i32
    %dma_start3A_149 = tpu.memref_slice %arg8[%dma_start3A_148] : memref<6400xi32, #tpu.memory_space<vmem>> -> memref<200xi32, #tpu.memory_space<vmem>>
    %dma_start3A_150 = arith.constant 0 : i32
    %dma_start3A_151 = tpu.memref_slice %arg3[%add3A_147, %dma_start3A_150] : memref<1024x200xi32, #tpu.memory_space<hbm>> -> memref<1x200xi32, #tpu.memory_space<hbm>>
    %dma_start3A_152 = tpu.memref_squeeze %dma_start3A_151 : memref<1x200xi32, #tpu.memory_space<hbm>> -> memref<200xi32, #tpu.memory_space<hbm>>
    %dma_start3A_153 = arith.constant 2400 : i32
    %dma_start3A_154 = tpu.memref_slice %arg8[%dma_start3A_153] : memref<6400xi32, #tpu.memory_space<vmem>> -> memref<200xi32, #tpu.memory_space<vmem>>
    %dma_start3A_155 = arith.constant 0 : i32
    %dma_start3A_156 = tpu.memref_slice %arg3[%add3A_147, %dma_start3A_155] : memref<1024x200xi32, #tpu.memory_space<hbm>> -> memref<1x200xi32, #tpu.memory_space<hbm>>
    %dma_start3A_157 = tpu.memref_squeeze %dma_start3A_156 : memref<1x200xi32, #tpu.memory_space<hbm>> -> memref<200xi32, #tpu.memory_space<hbm>>
    tpu.enqueue_dma source(%dma_start3A_157 : memref<200xi32, #tpu.memory_space<hbm>>) target(%dma_start3A_154 : memref<200xi32, #tpu.memory_space<vmem>>) target_semaphore(%arg17 : memref<!tpu.dma_semaphore, #tpu.memory_space<semaphore_mem>>)
    %add3A_158 = arith.constant 13 : i32
    %add3A_159 = arith.addi %mul3A_2, %add3A_158 : i32
    %dma_start3A_160 = arith.constant 2600 : i32
    %dma_start3A_161 = tpu.memref_slice %arg8[%dma_start3A_160] : memref<6400xi32, #tpu.memory_space<vmem>> -> memref<200xi32, #tpu.memory_space<vmem>>
    %dma_start3A_162 = arith.constant 0 : i32
    %dma_start3A_163 = tpu.memref_slice %arg3[%add3A_159, %dma_start3A_162] : memref<1024x200xi32, #tpu.memory_space<hbm>> -> memref<1x200xi32, #tpu.memory_space<hbm>>
    %dma_start3A_164 = tpu.memref_squeeze %dma_start3A_163 : memref<1x200xi32, #tpu.memory_space<hbm>> -> memref<200xi32, #tpu.memory_space<hbm>>
    %dma_start3A_165 = arith.constant 2600 : i32
    %dma_start3A_166 = tpu.memref_slice %arg8[%dma_start3A_165] : memref<6400xi32, #tpu.memory_space<vmem>> -> memref<200xi32, #tpu.memory_space<vmem>>
    %dma_start3A_167 = arith.constant 0 : i32
    %dma_start3A_168 = tpu.memref_slice %arg3[%add3A_159, %dma_start3A_167] : memref<1024x200xi32, #tpu.memory_space<hbm>> -> memref<1x200xi32, #tpu.memory_space<hbm>>
    %dma_start3A_169 = tpu.memref_squeeze %dma_start3A_168 : memref<1x200xi32, #tpu.memory_space<hbm>> -> memref<200xi32, #tpu.memory_space<hbm>>
    tpu.enqueue_dma source(%dma_start3A_169 : memref<200xi32, #tpu.memory_space<hbm>>) target(%dma_start3A_166 : memref<200xi32, #tpu.memory_space<vmem>>) target_semaphore(%arg17 : memref<!tpu.dma_semaphore, #tpu.memory_space<semaphore_mem>>)
    %add3A_170 = arith.constant 14 : i32
    %add3A_171 = arith.addi %mul3A_2, %add3A_170 : i32
    %dma_start3A_172 = arith.constant 2800 : i32
    %dma_start3A_173 = tpu.memref_slice %arg8[%dma_start3A_172] : memref<6400xi32, #tpu.memory_space<vmem>> -> memref<200xi32, #tpu.memory_space<vmem>>
    %dma_start3A_174 = arith.constant 0 : i32
    %dma_start3A_175 = tpu.memref_slice %arg3[%add3A_171, %dma_start3A_174] : memref<1024x200xi32, #tpu.memory_space<hbm>> -> memref<1x200xi32, #tpu.memory_space<hbm>>
    %dma_start3A_176 = tpu.memref_squeeze %dma_start3A_175 : memref<1x200xi32, #tpu.memory_space<hbm>> -> memref<200xi32, #tpu.memory_space<hbm>>
    %dma_start3A_177 = arith.constant 2800 : i32
    %dma_start3A_178 = tpu.memref_slice %arg8[%dma_start3A_177] : memref<6400xi32, #tpu.memory_space<vmem>> -> memref<200xi32, #tpu.memory_space<vmem>>
    %dma_start3A_179 = arith.constant 0 : i32
    %dma_start3A_180 = tpu.memref_slice %arg3[%add3A_171, %dma_start3A_179] : memref<1024x200xi32, #tpu.memory_space<hbm>> -> memref<1x200xi32, #tpu.memory_space<hbm>>
    %dma_start3A_181 = tpu.memref_squeeze %dma_start3A_180 : memref<1x200xi32, #tpu.memory_space<hbm>> -> memref<200xi32, #tpu.memory_space<hbm>>
    tpu.enqueue_dma source(%dma_start3A_181 : memref<200xi32, #tpu.memory_space<hbm>>) target(%dma_start3A_178 : memref<200xi32, #tpu.memory_space<vmem>>) target_semaphore(%arg17 : memref<!tpu.dma_semaphore, #tpu.memory_space<semaphore_mem>>)
    %add3A_182 = arith.constant 15 : i32
    %add3A_183 = arith.addi %mul3A_2, %add3A_182 : i32
    %dma_start3A_184 = arith.constant 3000 : i32
    %dma_start3A_185 = tpu.memref_slice %arg8[%dma_start3A_184] : memref<6400xi32, #tpu.memory_space<vmem>> -> memref<200xi32, #tpu.memory_space<vmem>>
    %dma_start3A_186 = arith.constant 0 : i32
    %dma_start3A_187 = tpu.memref_slice %arg3[%add3A_183, %dma_start3A_186] : memref<1024x200xi32, #tpu.memory_space<hbm>> -> memref<1x200xi32, #tpu.memory_space<hbm>>
    %dma_start3A_188 = tpu.memref_squeeze %dma_start3A_187 : memref<1x200xi32, #tpu.memory_space<hbm>> -> memref<200xi32, #tpu.memory_space<hbm>>
    %dma_start3A_189 = arith.constant 3000 : i32
    %dma_start3A_190 = tpu.memref_slice %arg8[%dma_start3A_189] : memref<6400xi32, #tpu.memory_space<vmem>> -> memref<200xi32, #tpu.memory_space<vmem>>
    %dma_start3A_191 = arith.constant 0 : i32
    %dma_start3A_192 = tpu.memref_slice %arg3[%add3A_183, %dma_start3A_191] : memref<1024x200xi32, #tpu.memory_space<hbm>> -> memref<1x200xi32, #tpu.memory_space<hbm>>
    %dma_start3A_193 = tpu.memref_squeeze %dma_start3A_192 : memref<1x200xi32, #tpu.memory_space<hbm>> -> memref<200xi32, #tpu.memory_space<hbm>>
    tpu.enqueue_dma source(%dma_start3A_193 : memref<200xi32, #tpu.memory_space<hbm>>) target(%dma_start3A_190 : memref<200xi32, #tpu.memory_space<vmem>>) target_semaphore(%arg17 : memref<!tpu.dma_semaphore, #tpu.memory_space<semaphore_mem>>)
    %add3A_194 = arith.constant 16 : i32
    %add3A_195 = arith.addi %mul3A_2, %add3A_194 : i32
    %dma_start3A_196 = arith.constant 3200 : i32
    %dma_start3A_197 = tpu.memref_slice %arg8[%dma_start3A_196] : memref<6400xi32, #tpu.memory_space<vmem>> -> memref<200xi32, #tpu.memory_space<vmem>>
    %dma_start3A_198 = arith.constant 0 : i32
    %dma_start3A_199 = tpu.memref_slice %arg3[%add3A_195, %dma_start3A_198] : memref<1024x200xi32, #tpu.memory_space<hbm>> -> memref<1x200xi32, #tpu.memory_space<hbm>>
    %dma_start3A_200 = tpu.memref_squeeze %dma_start3A_199 : memref<1x200xi32, #tpu.memory_space<hbm>> -> memref<200xi32, #tpu.memory_space<hbm>>
    %dma_start3A_201 = arith.constant 3200 : i32
    %dma_start3A_202 = tpu.memref_slice %arg8[%dma_start3A_201] : memref<6400xi32, #tpu.memory_space<vmem>> -> memref<200xi32, #tpu.memory_space<vmem>>
    %dma_start3A_203 = arith.constant 0 : i32
    %dma_start3A_204 = tpu.memref_slice %arg3[%add3A_195, %dma_start3A_203] : memref<1024x200xi32, #tpu.memory_space<hbm>> -> memref<1x200xi32, #tpu.memory_space<hbm>>
    %dma_start3A_205 = tpu.memref_squeeze %dma_start3A_204 : memref<1x200xi32, #tpu.memory_space<hbm>> -> memref<200xi32, #tpu.memory_space<hbm>>
    tpu.enqueue_dma source(%dma_start3A_205 : memref<200xi32, #tpu.memory_space<hbm>>) target(%dma_start3A_202 : memref<200xi32, #tpu.memory_space<vmem>>) target_semaphore(%arg17 : memref<!tpu.dma_semaphore, #tpu.memory_space<semaphore_mem>>)
    %add3A_206 = arith.constant 17 : i32
    %add3A_207 = arith.addi %mul3A_2, %add3A_206 : i32
    %dma_start3A_208 = arith.constant 3400 : i32
    %dma_start3A_209 = tpu.memref_slice %arg8[%dma_start3A_208] : memref<6400xi32, #tpu.memory_space<vmem>> -> memref<200xi32, #tpu.memory_space<vmem>>
    %dma_start3A_210 = arith.constant 0 : i32
    %dma_start3A_211 = tpu.memref_slice %arg3[%add3A_207, %dma_start3A_210] : memref<1024x200xi32, #tpu.memory_space<hbm>> -> memref<1x200xi32, #tpu.memory_space<hbm>>
    %dma_start3A_212 = tpu.memref_squeeze %dma_start3A_211 : memref<1x200xi32, #tpu.memory_space<hbm>> -> memref<200xi32, #tpu.memory_space<hbm>>
    %dma_start3A_213 = arith.constant 3400 : i32
    %dma_start3A_214 = tpu.memref_slice %arg8[%dma_start3A_213] : memref<6400xi32, #tpu.memory_space<vmem>> -> memref<200xi32, #tpu.memory_space<vmem>>
    %dma_start3A_215 = arith.constant 0 : i32
    %dma_start3A_216 = tpu.memref_slice %arg3[%add3A_207, %dma_start3A_215] : memref<1024x200xi32, #tpu.memory_space<hbm>> -> memref<1x200xi32, #tpu.memory_space<hbm>>
    %dma_start3A_217 = tpu.memref_squeeze %dma_start3A_216 : memref<1x200xi32, #tpu.memory_space<hbm>> -> memref<200xi32, #tpu.memory_space<hbm>>
    tpu.enqueue_dma source(%dma_start3A_217 : memref<200xi32, #tpu.memory_space<hbm>>) target(%dma_start3A_214 : memref<200xi32, #tpu.memory_space<vmem>>) target_semaphore(%arg17 : memref<!tpu.dma_semaphore, #tpu.memory_space<semaphore_mem>>)
    %add3A_218 = arith.constant 18 : i32
    %add3A_219 = arith.addi %mul3A_2, %add3A_218 : i32
    %dma_start3A_220 = arith.constant 3600 : i32
    %dma_start3A_221 = tpu.memref_slice %arg8[%dma_start3A_220] : memref<6400xi32, #tpu.memory_space<vmem>> -> memref<200xi32, #tpu.memory_space<vmem>>
    %dma_start3A_222 = arith.constant 0 : i32
    %dma_start3A_223 = tpu.memref_slice %arg3[%add3A_219, %dma_start3A_222] : memref<1024x200xi32, #tpu.memory_space<hbm>> -> memref<1x200xi32, #tpu.memory_space<hbm>>
    %dma_start3A_224 = tpu.memref_squeeze %dma_start3A_223 : memref<1x200xi32, #tpu.memory_space<hbm>> -> memref<200xi32, #tpu.memory_space<hbm>>
    %dma_start3A_225 = arith.constant 3600 : i32
    %dma_start3A_226 = tpu.memref_slice %arg8[%dma_start3A_225] : memref<6400xi32, #tpu.memory_space<vmem>> -> memref<200xi32, #tpu.memory_space<vmem>>
    %dma_start3A_227 = arith.constant 0 : i32
    %dma_start3A_228 = tpu.memref_slice %arg3[%add3A_219, %dma_start3A_227] : memref<1024x200xi32, #tpu.memory_space<hbm>> -> memref<1x200xi32, #tpu.memory_space<hbm>>
    %dma_start3A_229 = tpu.memref_squeeze %dma_start3A_228 : memref<1x200xi32, #tpu.memory_space<hbm>> -> memref<200xi32, #tpu.memory_space<hbm>>
    tpu.enqueue_dma source(%dma_start3A_229 : memref<200xi32, #tpu.memory_space<hbm>>) target(%dma_start3A_226 : memref<200xi32, #tpu.memory_space<vmem>>) target_semaphore(%arg17 : memref<!tpu.dma_semaphore, #tpu.memory_space<semaphore_mem>>)
    %add3A_230 = arith.constant 19 : i32
    %add3A_231 = arith.addi %mul3A_2, %add3A_230 : i32
    %dma_start3A_232 = arith.constant 3800 : i32
    %dma_start3A_233 = tpu.memref_slice %arg8[%dma_start3A_232] : memref<6400xi32, #tpu.memory_space<vmem>> -> memref<200xi32, #tpu.memory_space<vmem>>
    %dma_start3A_234 = arith.constant 0 : i32
    %dma_start3A_235 = tpu.memref_slice %arg3[%add3A_231, %dma_start3A_234] : memref<1024x200xi32, #tpu.memory_space<hbm>> -> memref<1x200xi32, #tpu.memory_space<hbm>>
    %dma_start3A_236 = tpu.memref_squeeze %dma_start3A_235 : memref<1x200xi32, #tpu.memory_space<hbm>> -> memref<200xi32, #tpu.memory_space<hbm>>
    %dma_start3A_237 = arith.constant 3800 : i32
    %dma_start3A_238 = tpu.memref_slice %arg8[%dma_start3A_237] : memref<6400xi32, #tpu.memory_space<vmem>> -> memref<200xi32, #tpu.memory_space<vmem>>
    %dma_start3A_239 = arith.constant 0 : i32
    %dma_start3A_240 = tpu.memref_slice %arg3[%add3A_231, %dma_start3A_239] : memref<1024x200xi32, #tpu.memory_space<hbm>> -> memref<1x200xi32, #tpu.memory_space<hbm>>
    %dma_start3A_241 = tpu.memref_squeeze %dma_start3A_240 : memref<1x200xi32, #tpu.memory_space<hbm>> -> memref<200xi32, #tpu.memory_space<hbm>>
    tpu.enqueue_dma source(%dma_start3A_241 : memref<200xi32, #tpu.memory_space<hbm>>) target(%dma_start3A_238 : memref<200xi32, #tpu.memory_space<vmem>>) target_semaphore(%arg17 : memref<!tpu.dma_semaphore, #tpu.memory_space<semaphore_mem>>)
    %add3A_242 = arith.constant 20 : i32
    %add3A_243 = arith.addi %mul3A_2, %add3A_242 : i32
    %dma_start3A_244 = arith.constant 4000 : i32
    %dma_start3A_245 = tpu.memref_slice %arg8[%dma_start3A_244] : memref<6400xi32, #tpu.memory_space<vmem>> -> memref<200xi32, #tpu.memory_space<vmem>>
    %dma_start3A_246 = arith.constant 0 : i32
    %dma_start3A_247 = tpu.memref_slice %arg3[%add3A_243, %dma_start3A_246] : memref<1024x200xi32, #tpu.memory_space<hbm>> -> memref<1x200xi32, #tpu.memory_space<hbm>>
    %dma_start3A_248 = tpu.memref_squeeze %dma_start3A_247 : memref<1x200xi32, #tpu.memory_space<hbm>> -> memref<200xi32, #tpu.memory_space<hbm>>
    %dma_start3A_249 = arith.constant 4000 : i32
    %dma_start3A_250 = tpu.memref_slice %arg8[%dma_start3A_249] : memref<6400xi32, #tpu.memory_space<vmem>> -> memref<200xi32, #tpu.memory_space<vmem>>
    %dma_start3A_251 = arith.constant 0 : i32
    %dma_start3A_252 = tpu.memref_slice %arg3[%add3A_243, %dma_start3A_251] : memref<1024x200xi32, #tpu.memory_space<hbm>> -> memref<1x200xi32, #tpu.memory_space<hbm>>
    %dma_start3A_253 = tpu.memref_squeeze %dma_start3A_252 : memref<1x200xi32, #tpu.memory_space<hbm>> -> memref<200xi32, #tpu.memory_space<hbm>>
    tpu.enqueue_dma source(%dma_start3A_253 : memref<200xi32, #tpu.memory_space<hbm>>) target(%dma_start3A_250 : memref<200xi32, #tpu.memory_space<vmem>>) target_semaphore(%arg17 : memref<!tpu.dma_semaphore, #tpu.memory_space<semaphore_mem>>)
    %add3A_254 = arith.constant 21 : i32
    %add3A_255 = arith.addi %mul3A_2, %add3A_254 : i32
    %dma_start3A_256 = arith.constant 4200 : i32
    %dma_start3A_257 = tpu.memref_slice %arg8[%dma_start3A_256] : memref<6400xi32, #tpu.memory_space<vmem>> -> memref<200xi32, #tpu.memory_space<vmem>>
    %dma_start3A_258 = arith.constant 0 : i32
    %dma_start3A_259 = tpu.memref_slice %arg3[%add3A_255, %dma_start3A_258] : memref<1024x200xi32, #tpu.memory_space<hbm>> -> memref<1x200xi32, #tpu.memory_space<hbm>>
    %dma_start3A_260 = tpu.memref_squeeze %dma_start3A_259 : memref<1x200xi32, #tpu.memory_space<hbm>> -> memref<200xi32, #tpu.memory_space<hbm>>
    %dma_start3A_261 = arith.constant 4200 : i32
    %dma_start3A_262 = tpu.memref_slice %arg8[%dma_start3A_261] : memref<6400xi32, #tpu.memory_space<vmem>> -> memref<200xi32, #tpu.memory_space<vmem>>
    %dma_start3A_263 = arith.constant 0 : i32
    %dma_start3A_264 = tpu.memref_slice %arg3[%add3A_255, %dma_start3A_263] : memref<1024x200xi32, #tpu.memory_space<hbm>> -> memref<1x200xi32, #tpu.memory_space<hbm>>
    %dma_start3A_265 = tpu.memref_squeeze %dma_start3A_264 : memref<1x200xi32, #tpu.memory_space<hbm>> -> memref<200xi32, #tpu.memory_space<hbm>>
    tpu.enqueue_dma source(%dma_start3A_265 : memref<200xi32, #tpu.memory_space<hbm>>) target(%dma_start3A_262 : memref<200xi32, #tpu.memory_space<vmem>>) target_semaphore(%arg17 : memref<!tpu.dma_semaphore, #tpu.memory_space<semaphore_mem>>)
    %add3A_266 = arith.constant 22 : i32
    %add3A_267 = arith.addi %mul3A_2, %add3A_266 : i32
    %dma_start3A_268 = arith.constant 4400 : i32
    %dma_start3A_269 = tpu.memref_slice %arg8[%dma_start3A_268] : memref<6400xi32, #tpu.memory_space<vmem>> -> memref<200xi32, #tpu.memory_space<vmem>>
    %dma_start3A_270 = arith.constant 0 : i32
    %dma_start3A_271 = tpu.memref_slice %arg3[%add3A_267, %dma_start3A_270] : memref<1024x200xi32, #tpu.memory_space<hbm>> -> memref<1x200xi32, #tpu.memory_space<hbm>>
    %dma_start3A_272 = tpu.memref_squeeze %dma_start3A_271 : memref<1x200xi32, #tpu.memory_space<hbm>> -> memref<200xi32, #tpu.memory_space<hbm>>
    %dma_start3A_273 = arith.constant 4400 : i32
    %dma_start3A_274 = tpu.memref_slice %arg8[%dma_start3A_273] : memref<6400xi32, #tpu.memory_space<vmem>> -> memref<200xi32, #tpu.memory_space<vmem>>
    %dma_start3A_275 = arith.constant 0 : i32
    %dma_start3A_276 = tpu.memref_slice %arg3[%add3A_267, %dma_start3A_275] : memref<1024x200xi32, #tpu.memory_space<hbm>> -> memref<1x200xi32, #tpu.memory_space<hbm>>
    %dma_start3A_277 = tpu.memref_squeeze %dma_start3A_276 : memref<1x200xi32, #tpu.memory_space<hbm>> -> memref<200xi32, #tpu.memory_space<hbm>>
    tpu.enqueue_dma source(%dma_start3A_277 : memref<200xi32, #tpu.memory_space<hbm>>) target(%dma_start3A_274 : memref<200xi32, #tpu.memory_space<vmem>>) target_semaphore(%arg17 : memref<!tpu.dma_semaphore, #tpu.memory_space<semaphore_mem>>)
    %add3A_278 = arith.constant 23 : i32
    %add3A_279 = arith.addi %mul3A_2, %add3A_278 : i32
    %dma_start3A_280 = arith.constant 4600 : i32
    %dma_start3A_281 = tpu.memref_slice %arg8[%dma_start3A_280] : memref<6400xi32, #tpu.memory_space<vmem>> -> memref<200xi32, #tpu.memory_space<vmem>>
    %dma_start3A_282 = arith.constant 0 : i32
    %dma_start3A_283 = tpu.memref_slice %arg3[%add3A_279, %dma_start3A_282] : memref<1024x200xi32, #tpu.memory_space<hbm>> -> memref<1x200xi32, #tpu.memory_space<hbm>>
    %dma_start3A_284 = tpu.memref_squeeze %dma_start3A_283 : memref<1x200xi32, #tpu.memory_space<hbm>> -> memref<200xi32, #tpu.memory_space<hbm>>
    %dma_start3A_285 = arith.constant 4600 : i32
    %dma_start3A_286 = tpu.memref_slice %arg8[%dma_start3A_285] : memref<6400xi32, #tpu.memory_space<vmem>> -> memref<200xi32, #tpu.memory_space<vmem>>
    %dma_start3A_287 = arith.constant 0 : i32
    %dma_start3A_288 = tpu.memref_slice %arg3[%add3A_279, %dma_start3A_287] : memref<1024x200xi32, #tpu.memory_space<hbm>> -> memref<1x200xi32, #tpu.memory_space<hbm>>
    %dma_start3A_289 = tpu.memref_squeeze %dma_start3A_288 : memref<1x200xi32, #tpu.memory_space<hbm>> -> memref<200xi32, #tpu.memory_space<hbm>>
    tpu.enqueue_dma source(%dma_start3A_289 : memref<200xi32, #tpu.memory_space<hbm>>) target(%dma_start3A_286 : memref<200xi32, #tpu.memory_space<vmem>>) target_semaphore(%arg17 : memref<!tpu.dma_semaphore, #tpu.memory_space<semaphore_mem>>)
    %add3A_290 = arith.constant 24 : i32
    %add3A_291 = arith.addi %mul3A_2, %add3A_290 : i32
    %dma_start3A_292 = arith.constant 4800 : i32
    %dma_start3A_293 = tpu.memref_slice %arg8[%dma_start3A_292] : memref<6400xi32, #tpu.memory_space<vmem>> -> memref<200xi32, #tpu.memory_space<vmem>>
    %dma_start3A_294 = arith.constant 0 : i32
    %dma_start3A_295 = tpu.memref_slice %arg3[%add3A_291, %dma_start3A_294] : memref<1024x200xi32, #tpu.memory_space<hbm>> -> memref<1x200xi32, #tpu.memory_space<hbm>>
    %dma_start3A_296 = tpu.memref_squeeze %dma_start3A_295 : memref<1x200xi32, #tpu.memory_space<hbm>> -> memref<200xi32, #tpu.memory_space<hbm>>
    %dma_start3A_297 = arith.constant 4800 : i32
    %dma_start3A_298 = tpu.memref_slice %arg8[%dma_start3A_297] : memref<6400xi32, #tpu.memory_space<vmem>> -> memref<200xi32, #tpu.memory_space<vmem>>
    %dma_start3A_299 = arith.constant 0 : i32
    %dma_start3A_300 = tpu.memref_slice %arg3[%add3A_291, %dma_start3A_299] : memref<1024x200xi32, #tpu.memory_space<hbm>> -> memref<1x200xi32, #tpu.memory_space<hbm>>
    %dma_start3A_301 = tpu.memref_squeeze %dma_start3A_300 : memref<1x200xi32, #tpu.memory_space<hbm>> -> memref<200xi32, #tpu.memory_space<hbm>>
    tpu.enqueue_dma source(%dma_start3A_301 : memref<200xi32, #tpu.memory_space<hbm>>) target(%dma_start3A_298 : memref<200xi32, #tpu.memory_space<vmem>>) target_semaphore(%arg17 : memref<!tpu.dma_semaphore, #tpu.memory_space<semaphore_mem>>)
    %add3A_302 = arith.constant 25 : i32
    %add3A_303 = arith.addi %mul3A_2, %add3A_302 : i32
    %dma_start3A_304 = arith.constant 5000 : i32
    %dma_start3A_305 = tpu.memref_slice %arg8[%dma_start3A_304] : memref<6400xi32, #tpu.memory_space<vmem>> -> memref<200xi32, #tpu.memory_space<vmem>>
    %dma_start3A_306 = arith.constant 0 : i32
    %dma_start3A_307 = tpu.memref_slice %arg3[%add3A_303, %dma_start3A_306] : memref<1024x200xi32, #tpu.memory_space<hbm>> -> memref<1x200xi32, #tpu.memory_space<hbm>>
    %dma_start3A_308 = tpu.memref_squeeze %dma_start3A_307 : memref<1x200xi32, #tpu.memory_space<hbm>> -> memref<200xi32, #tpu.memory_space<hbm>>
    %dma_start3A_309 = arith.constant 5000 : i32
    %dma_start3A_310 = tpu.memref_slice %arg8[%dma_start3A_309] : memref<6400xi32, #tpu.memory_space<vmem>> -> memref<200xi32, #tpu.memory_space<vmem>>
    %dma_start3A_311 = arith.constant 0 : i32
    %dma_start3A_312 = tpu.memref_slice %arg3[%add3A_303, %dma_start3A_311] : memref<1024x200xi32, #tpu.memory_space<hbm>> -> memref<1x200xi32, #tpu.memory_space<hbm>>
    %dma_start3A_313 = tpu.memref_squeeze %dma_start3A_312 : memref<1x200xi32, #tpu.memory_space<hbm>> -> memref<200xi32, #tpu.memory_space<hbm>>
    tpu.enqueue_dma source(%dma_start3A_313 : memref<200xi32, #tpu.memory_space<hbm>>) target(%dma_start3A_310 : memref<200xi32, #tpu.memory_space<vmem>>) target_semaphore(%arg17 : memref<!tpu.dma_semaphore, #tpu.memory_space<semaphore_mem>>)
    %add3A_314 = arith.constant 26 : i32
    %add3A_315 = arith.addi %mul3A_2, %add3A_314 : i32
    %dma_start3A_316 = arith.constant 5200 : i32
    %dma_start3A_317 = tpu.memref_slice %arg8[%dma_start3A_316] : memref<6400xi32, #tpu.memory_space<vmem>> -> memref<200xi32, #tpu.memory_space<vmem>>
    %dma_start3A_318 = arith.constant 0 : i32
    %dma_start3A_319 = tpu.memref_slice %arg3[%add3A_315, %dma_start3A_318] : memref<1024x200xi32, #tpu.memory_space<hbm>> -> memref<1x200xi32, #tpu.memory_space<hbm>>
    %dma_start3A_320 = tpu.memref_squeeze %dma_start3A_319 : memref<1x200xi32, #tpu.memory_space<hbm>> -> memref<200xi32, #tpu.memory_space<hbm>>
    %dma_start3A_321 = arith.constant 5200 : i32
    %dma_start3A_322 = tpu.memref_slice %arg8[%dma_start3A_321] : memref<6400xi32, #tpu.memory_space<vmem>> -> memref<200xi32, #tpu.memory_space<vmem>>
    %dma_start3A_323 = arith.constant 0 : i32
    %dma_start3A_324 = tpu.memref_slice %arg3[%add3A_315, %dma_start3A_323] : memref<1024x200xi32, #tpu.memory_space<hbm>> -> memref<1x200xi32, #tpu.memory_space<hbm>>
    %dma_start3A_325 = tpu.memref_squeeze %dma_start3A_324 : memref<1x200xi32, #tpu.memory_space<hbm>> -> memref<200xi32, #tpu.memory_space<hbm>>
    tpu.enqueue_dma source(%dma_start3A_325 : memref<200xi32, #tpu.memory_space<hbm>>) target(%dma_start3A_322 : memref<200xi32, #tpu.memory_space<vmem>>) target_semaphore(%arg17 : memref<!tpu.dma_semaphore, #tpu.memory_space<semaphore_mem>>)
    %add3A_326 = arith.constant 27 : i32
    %add3A_327 = arith.addi %mul3A_2, %add3A_326 : i32
    %dma_start3A_328 = arith.constant 5400 : i32
    %dma_start3A_329 = tpu.memref_slice %arg8[%dma_start3A_328] : memref<6400xi32, #tpu.memory_space<vmem>> -> memref<200xi32, #tpu.memory_space<vmem>>
    %dma_start3A_330 = arith.constant 0 : i32
    %dma_start3A_331 = tpu.memref_slice %arg3[%add3A_327, %dma_start3A_330] : memref<1024x200xi32, #tpu.memory_space<hbm>> -> memref<1x200xi32, #tpu.memory_space<hbm>>
    %dma_start3A_332 = tpu.memref_squeeze %dma_start3A_331 : memref<1x200xi32, #tpu.memory_space<hbm>> -> memref<200xi32, #tpu.memory_space<hbm>>
    %dma_start3A_333 = arith.constant 5400 : i32
    %dma_start3A_334 = tpu.memref_slice %arg8[%dma_start3A_333] : memref<6400xi32, #tpu.memory_space<vmem>> -> memref<200xi32, #tpu.memory_space<vmem>>
    %dma_start3A_335 = arith.constant 0 : i32
    %dma_start3A_336 = tpu.memref_slice %arg3[%add3A_327, %dma_start3A_335] : memref<1024x200xi32, #tpu.memory_space<hbm>> -> memref<1x200xi32, #tpu.memory_space<hbm>>
    %dma_start3A_337 = tpu.memref_squeeze %dma_start3A_336 : memref<1x200xi32, #tpu.memory_space<hbm>> -> memref<200xi32, #tpu.memory_space<hbm>>
    tpu.enqueue_dma source(%dma_start3A_337 : memref<200xi32, #tpu.memory_space<hbm>>) target(%dma_start3A_334 : memref<200xi32, #tpu.memory_space<vmem>>) target_semaphore(%arg17 : memref<!tpu.dma_semaphore, #tpu.memory_space<semaphore_mem>>)
    %add3A_338 = arith.constant 28 : i32
    %add3A_339 = arith.addi %mul3A_2, %add3A_338 : i32
    %dma_start3A_340 = arith.constant 5600 : i32
    %dma_start3A_341 = tpu.memref_slice %arg8[%dma_start3A_340] : memref<6400xi32, #tpu.memory_space<vmem>> -> memref<200xi32, #tpu.memory_space<vmem>>
    %dma_start3A_342 = arith.constant 0 : i32
    %dma_start3A_343 = tpu.memref_slice %arg3[%add3A_339, %dma_start3A_342] : memref<1024x200xi32, #tpu.memory_space<hbm>> -> memref<1x200xi32, #tpu.memory_space<hbm>>
    %dma_start3A_344 = tpu.memref_squeeze %dma_start3A_343 : memref<1x200xi32, #tpu.memory_space<hbm>> -> memref<200xi32, #tpu.memory_space<hbm>>
    %dma_start3A_345 = arith.constant 5600 : i32
    %dma_start3A_346 = tpu.memref_slice %arg8[%dma_start3A_345] : memref<6400xi32, #tpu.memory_space<vmem>> -> memref<200xi32, #tpu.memory_space<vmem>>
    %dma_start3A_347 = arith.constant 0 : i32
    %dma_start3A_348 = tpu.memref_slice %arg3[%add3A_339, %dma_start3A_347] : memref<1024x200xi32, #tpu.memory_space<hbm>> -> memref<1x200xi32, #tpu.memory_space<hbm>>
    %dma_start3A_349 = tpu.memref_squeeze %dma_start3A_348 : memref<1x200xi32, #tpu.memory_space<hbm>> -> memref<200xi32, #tpu.memory_space<hbm>>
    tpu.enqueue_dma source(%dma_start3A_349 : memref<200xi32, #tpu.memory_space<hbm>>) target(%dma_start3A_346 : memref<200xi32, #tpu.memory_space<vmem>>) target_semaphore(%arg17 : memref<!tpu.dma_semaphore, #tpu.memory_space<semaphore_mem>>)
    %add3A_350 = arith.constant 29 : i32
    %add3A_351 = arith.addi %mul3A_2, %add3A_350 : i32
    %dma_start3A_352 = arith.constant 5800 : i32
    %dma_start3A_353 = tpu.memref_slice %arg8[%dma_start3A_352] : memref<6400xi32, #tpu.memory_space<vmem>> -> memref<200xi32, #tpu.memory_space<vmem>>
    %dma_start3A_354 = arith.constant 0 : i32
    %dma_start3A_355 = tpu.memref_slice %arg3[%add3A_351, %dma_start3A_354] : memref<1024x200xi32, #tpu.memory_space<hbm>> -> memref<1x200xi32, #tpu.memory_space<hbm>>
    %dma_start3A_356 = tpu.memref_squeeze %dma_start3A_355 : memref<1x200xi32, #tpu.memory_space<hbm>> -> memref<200xi32, #tpu.memory_space<hbm>>
    %dma_start3A_357 = arith.constant 5800 : i32
    %dma_start3A_358 = tpu.memref_slice %arg8[%dma_start3A_357] : memref<6400xi32, #tpu.memory_space<vmem>> -> memref<200xi32, #tpu.memory_space<vmem>>
    %dma_start3A_359 = arith.constant 0 : i32
    %dma_start3A_360 = tpu.memref_slice %arg3[%add3A_351, %dma_start3A_359] : memref<1024x200xi32, #tpu.memory_space<hbm>> -> memref<1x200xi32, #tpu.memory_space<hbm>>
    %dma_start3A_361 = tpu.memref_squeeze %dma_start3A_360 : memref<1x200xi32, #tpu.memory_space<hbm>> -> memref<200xi32, #tpu.memory_space<hbm>>
    tpu.enqueue_dma source(%dma_start3A_361 : memref<200xi32, #tpu.memory_space<hbm>>) target(%dma_start3A_358 : memref<200xi32, #tpu.memory_space<vmem>>) target_semaphore(%arg17 : memref<!tpu.dma_semaphore, #tpu.memory_space<semaphore_mem>>)
    %add3A_362 = arith.constant 30 : i32
    %add3A_363 = arith.addi %mul3A_2, %add3A_362 : i32
    %dma_start3A_364 = arith.constant 6000 : i32
    %dma_start3A_365 = tpu.memref_slice %arg8[%dma_start3A_364] : memref<6400xi32, #tpu.memory_space<vmem>> -> memref<200xi32, #tpu.memory_space<vmem>>
    %dma_start3A_366 = arith.constant 0 : i32
    %dma_start3A_367 = tpu.memref_slice %arg3[%add3A_363, %dma_start3A_366] : memref<1024x200xi32, #tpu.memory_space<hbm>> -> memref<1x200xi32, #tpu.memory_space<hbm>>
    %dma_start3A_368 = tpu.memref_squeeze %dma_start3A_367 : memref<1x200xi32, #tpu.memory_space<hbm>> -> memref<200xi32, #tpu.memory_space<hbm>>
    %dma_start3A_369 = arith.constant 6000 : i32
    %dma_start3A_370 = tpu.memref_slice %arg8[%dma_start3A_369] : memref<6400xi32, #tpu.memory_space<vmem>> -> memref<200xi32, #tpu.memory_space<vmem>>
    %dma_start3A_371 = arith.constant 0 : i32
    %dma_start3A_372 = tpu.memref_slice %arg3[%add3A_363, %dma_start3A_371] : memref<1024x200xi32, #tpu.memory_space<hbm>> -> memref<1x200xi32, #tpu.memory_space<hbm>>
    %dma_start3A_373 = tpu.memref_squeeze %dma_start3A_372 : memref<1x200xi32, #tpu.memory_space<hbm>> -> memref<200xi32, #tpu.memory_space<hbm>>
    tpu.enqueue_dma source(%dma_start3A_373 : memref<200xi32, #tpu.memory_space<hbm>>) target(%dma_start3A_370 : memref<200xi32, #tpu.memory_space<vmem>>) target_semaphore(%arg17 : memref<!tpu.dma_semaphore, #tpu.memory_space<semaphore_mem>>)
    %add3A_374 = arith.constant 31 : i32
    %add3A_375 = arith.addi %mul3A_2, %add3A_374 : i32
    %dma_start3A_376 = arith.constant 6200 : i32
    %dma_start3A_377 = tpu.memref_slice %arg8[%dma_start3A_376] : memref<6400xi32, #tpu.memory_space<vmem>> -> memref<200xi32, #tpu.memory_space<vmem>>
    %dma_start3A_378 = arith.constant 0 : i32
    %dma_start3A_379 = tpu.memref_slice %arg3[%add3A_375, %dma_start3A_378] : memref<1024x200xi32, #tpu.memory_space<hbm>> -> memref<1x200xi32, #tpu.memory_space<hbm>>
    %dma_start3A_380 = tpu.memref_squeeze %dma_start3A_379 : memref<1x200xi32, #tpu.memory_space<hbm>> -> memref<200xi32, #tpu.memory_space<hbm>>
    %dma_start3A_381 = arith.constant 6200 : i32
    %dma_start3A_382 = tpu.memref_slice %arg8[%dma_start3A_381] : memref<6400xi32, #tpu.memory_space<vmem>> -> memref<200xi32, #tpu.memory_space<vmem>>
    %dma_start3A_383 = arith.constant 0 : i32
    %dma_start3A_384 = tpu.memref_slice %arg3[%add3A_375, %dma_start3A_383] : memref<1024x200xi32, #tpu.memory_space<hbm>> -> memref<1x200xi32, #tpu.memory_space<hbm>>
    %dma_start3A_385 = tpu.memref_squeeze %dma_start3A_384 : memref<1x200xi32, #tpu.memory_space<hbm>> -> memref<200xi32, #tpu.memory_space<hbm>>
    tpu.enqueue_dma source(%dma_start3A_385 : memref<200xi32, #tpu.memory_space<hbm>>) target(%dma_start3A_382 : memref<200xi32, #tpu.memory_space<vmem>>) target_semaphore(%arg17 : memref<!tpu.dma_semaphore, #tpu.memory_space<semaphore_mem>>)
    %add3A_386 = arith.constant 0 : i32
    %add3A_387 = arith.addi %mul3A_2, %add3A_386 : i32
    %dma_wait3A = arith.constant 0 : i32
    %dma_wait3A_388 = tpu.memref_slice %arg8[%dma_wait3A] : memref<6400xi32, #tpu.memory_space<vmem>> -> memref<200xi32, #tpu.memory_space<vmem>>
    %dma_wait3A_389 = arith.constant 0 : i32
    %dma_wait3A_390 = tpu.memref_slice %arg3[%add3A_387, %dma_wait3A_389] : memref<1024x200xi32, #tpu.memory_space<hbm>> -> memref<1x200xi32, #tpu.memory_space<hbm>>
    %dma_wait3A_391 = tpu.memref_squeeze %dma_wait3A_390 : memref<1x200xi32, #tpu.memory_space<hbm>> -> memref<200xi32, #tpu.memory_space<hbm>>
    %dma_wait3A_392 = arith.constant 0 : i32
    %dma_wait3A_393 = tpu.memref_slice %arg8[%dma_wait3A_392] : memref<6400xi32, #tpu.memory_space<vmem>> -> memref<200xi32, #tpu.memory_space<vmem>>
    %dma_wait3A_394 = arith.constant 0 : i32
    %dma_wait3A_395 = tpu.memref_slice %arg3[%add3A_387, %dma_wait3A_394] : memref<1024x200xi32, #tpu.memory_space<hbm>> -> memref<1x200xi32, #tpu.memory_space<hbm>>
    %dma_wait3A_396 = tpu.memref_squeeze %dma_wait3A_395 : memref<1x200xi32, #tpu.memory_space<hbm>> -> memref<200xi32, #tpu.memory_space<hbm>>
    tpu.wait_dma2 semaphore(%arg17 : memref<!tpu.dma_semaphore, #tpu.memory_space<semaphore_mem>>) src(%dma_wait3A_396 : memref<200xi32, #tpu.memory_space<hbm>>) dst(%dma_wait3A_393 : memref<200xi32, #tpu.memory_space<vmem>>)
    %add3A_397 = arith.constant 1 : i32
    %add3A_398 = arith.addi %mul3A_2, %add3A_397 : i32
    %dma_wait3A_399 = arith.constant 200 : i32
    %dma_wait3A_400 = tpu.memref_slice %arg8[%dma_wait3A_399] : memref<6400xi32, #tpu.memory_space<vmem>> -> memref<200xi32, #tpu.memory_space<vmem>>
    %dma_wait3A_401 = arith.constant 0 : i32
    %dma_wait3A_402 = tpu.memref_slice %arg3[%add3A_398, %dma_wait3A_401] : memref<1024x200xi32, #tpu.memory_space<hbm>> -> memref<1x200xi32, #tpu.memory_space<hbm>>
    %dma_wait3A_403 = tpu.memref_squeeze %dma_wait3A_402 : memref<1x200xi32, #tpu.memory_space<hbm>> -> memref<200xi32, #tpu.memory_space<hbm>>
    %dma_wait3A_404 = arith.constant 200 : i32
    %dma_wait3A_405 = tpu.memref_slice %arg8[%dma_wait3A_404] : memref<6400xi32, #tpu.memory_space<vmem>> -> memref<200xi32, #tpu.memory_space<vmem>>
    %dma_wait3A_406 = arith.constant 0 : i32
    %dma_wait3A_407 = tpu.memref_slice %arg3[%add3A_398, %dma_wait3A_406] : memref<1024x200xi32, #tpu.memory_space<hbm>> -> memref<1x200xi32, #tpu.memory_space<hbm>>
    %dma_wait3A_408 = tpu.memref_squeeze %dma_wait3A_407 : memref<1x200xi32, #tpu.memory_space<hbm>> -> memref<200xi32, #tpu.memory_space<hbm>>
    tpu.wait_dma2 semaphore(%arg17 : memref<!tpu.dma_semaphore, #tpu.memory_space<semaphore_mem>>) src(%dma_wait3A_408 : memref<200xi32, #tpu.memory_space<hbm>>) dst(%dma_wait3A_405 : memref<200xi32, #tpu.memory_space<vmem>>)
    %add3A_409 = arith.constant 2 : i32
    %add3A_410 = arith.addi %mul3A_2, %add3A_409 : i32
    %dma_wait3A_411 = arith.constant 400 : i32
    %dma_wait3A_412 = tpu.memref_slice %arg8[%dma_wait3A_411] : memref<6400xi32, #tpu.memory_space<vmem>> -> memref<200xi32, #tpu.memory_space<vmem>>
    %dma_wait3A_413 = arith.constant 0 : i32
    %dma_wait3A_414 = tpu.memref_slice %arg3[%add3A_410, %dma_wait3A_413] : memref<1024x200xi32, #tpu.memory_space<hbm>> -> memref<1x200xi32, #tpu.memory_space<hbm>>
    %dma_wait3A_415 = tpu.memref_squeeze %dma_wait3A_414 : memref<1x200xi32, #tpu.memory_space<hbm>> -> memref<200xi32, #tpu.memory_space<hbm>>
    %dma_wait3A_416 = arith.constant 400 : i32
    %dma_wait3A_417 = tpu.memref_slice %arg8[%dma_wait3A_416] : memref<6400xi32, #tpu.memory_space<vmem>> -> memref<200xi32, #tpu.memory_space<vmem>>
    %dma_wait3A_418 = arith.constant 0 : i32
    %dma_wait3A_419 = tpu.memref_slice %arg3[%add3A_410, %dma_wait3A_418] : memref<1024x200xi32, #tpu.memory_space<hbm>> -> memref<1x200xi32, #tpu.memory_space<hbm>>
    %dma_wait3A_420 = tpu.memref_squeeze %dma_wait3A_419 : memref<1x200xi32, #tpu.memory_space<hbm>> -> memref<200xi32, #tpu.memory_space<hbm>>
    tpu.wait_dma2 semaphore(%arg17 : memref<!tpu.dma_semaphore, #tpu.memory_space<semaphore_mem>>) src(%dma_wait3A_420 : memref<200xi32, #tpu.memory_space<hbm>>) dst(%dma_wait3A_417 : memref<200xi32, #tpu.memory_space<vmem>>)
    %add3A_421 = arith.constant 3 : i32
    %add3A_422 = arith.addi %mul3A_2, %add3A_421 : i32
    %dma_wait3A_423 = arith.constant 600 : i32
    %dma_wait3A_424 = tpu.memref_slice %arg8[%dma_wait3A_423] : memref<6400xi32, #tpu.memory_space<vmem>> -> memref<200xi32, #tpu.memory_space<vmem>>
    %dma_wait3A_425 = arith.constant 0 : i32
    %dma_wait3A_426 = tpu.memref_slice %arg3[%add3A_422, %dma_wait3A_425] : memref<1024x200xi32, #tpu.memory_space<hbm>> -> memref<1x200xi32, #tpu.memory_space<hbm>>
    %dma_wait3A_427 = tpu.memref_squeeze %dma_wait3A_426 : memref<1x200xi32, #tpu.memory_space<hbm>> -> memref<200xi32, #tpu.memory_space<hbm>>
    %dma_wait3A_428 = arith.constant 600 : i32
    %dma_wait3A_429 = tpu.memref_slice %arg8[%dma_wait3A_428] : memref<6400xi32, #tpu.memory_space<vmem>> -> memref<200xi32, #tpu.memory_space<vmem>>
    %dma_wait3A_430 = arith.constant 0 : i32
    %dma_wait3A_431 = tpu.memref_slice %arg3[%add3A_422, %dma_wait3A_430] : memref<1024x200xi32, #tpu.memory_space<hbm>> -> memref<1x200xi32, #tpu.memory_space<hbm>>
    %dma_wait3A_432 = tpu.memref_squeeze %dma_wait3A_431 : memref<1x200xi32, #tpu.memory_space<hbm>> -> memref<200xi32, #tpu.memory_space<hbm>>
    tpu.wait_dma2 semaphore(%arg17 : memref<!tpu.dma_semaphore, #tpu.memory_space<semaphore_mem>>) src(%dma_wait3A_432 : memref<200xi32, #tpu.memory_space<hbm>>) dst(%dma_wait3A_429 : memref<200xi32, #tpu.memory_space<vmem>>)
    %add3A_433 = arith.constant 4 : i32
    %add3A_434 = arith.addi %mul3A_2, %add3A_433 : i32
    %dma_wait3A_435 = arith.constant 800 : i32
    %dma_wait3A_436 = tpu.memref_slice %arg8[%dma_wait3A_435] : memref<6400xi32, #tpu.memory_space<vmem>> -> memref<200xi32, #tpu.memory_space<vmem>>
    %dma_wait3A_437 = arith.constant 0 : i32
    %dma_wait3A_438 = tpu.memref_slice %arg3[%add3A_434, %dma_wait3A_437] : memref<1024x200xi32, #tpu.memory_space<hbm>> -> memref<1x200xi32, #tpu.memory_space<hbm>>
    %dma_wait3A_439 = tpu.memref_squeeze %dma_wait3A_438 : memref<1x200xi32, #tpu.memory_space<hbm>> -> memref<200xi32, #tpu.memory_space<hbm>>
    %dma_wait3A_440 = arith.constant 800 : i32
    %dma_wait3A_441 = tpu.memref_slice %arg8[%dma_wait3A_440] : memref<6400xi32, #tpu.memory_space<vmem>> -> memref<200xi32, #tpu.memory_space<vmem>>
    %dma_wait3A_442 = arith.constant 0 : i32
    %dma_wait3A_443 = tpu.memref_slice %arg3[%add3A_434, %dma_wait3A_442] : memref<1024x200xi32, #tpu.memory_space<hbm>> -> memref<1x200xi32, #tpu.memory_space<hbm>>
    %dma_wait3A_444 = tpu.memref_squeeze %dma_wait3A_443 : memref<1x200xi32, #tpu.memory_space<hbm>> -> memref<200xi32, #tpu.memory_space<hbm>>
    tpu.wait_dma2 semaphore(%arg17 : memref<!tpu.dma_semaphore, #tpu.memory_space<semaphore_mem>>) src(%dma_wait3A_444 : memref<200xi32, #tpu.memory_space<hbm>>) dst(%dma_wait3A_441 : memref<200xi32, #tpu.memory_space<vmem>>)
    %add3A_445 = arith.constant 5 : i32
    %add3A_446 = arith.addi %mul3A_2, %add3A_445 : i32
    %dma_wait3A_447 = arith.constant 1000 : i32
    %dma_wait3A_448 = tpu.memref_slice %arg8[%dma_wait3A_447] : memref<6400xi32, #tpu.memory_space<vmem>> -> memref<200xi32, #tpu.memory_space<vmem>>
    %dma_wait3A_449 = arith.constant 0 : i32
    %dma_wait3A_450 = tpu.memref_slice %arg3[%add3A_446, %dma_wait3A_449] : memref<1024x200xi32, #tpu.memory_space<hbm>> -> memref<1x200xi32, #tpu.memory_space<hbm>>
    %dma_wait3A_451 = tpu.memref_squeeze %dma_wait3A_450 : memref<1x200xi32, #tpu.memory_space<hbm>> -> memref<200xi32, #tpu.memory_space<hbm>>
    %dma_wait3A_452 = arith.constant 1000 : i32
    %dma_wait3A_453 = tpu.memref_slice %arg8[%dma_wait3A_452] : memref<6400xi32, #tpu.memory_space<vmem>> -> memref<200xi32, #tpu.memory_space<vmem>>
    %dma_wait3A_454 = arith.constant 0 : i32
    %dma_wait3A_455 = tpu.memref_slice %arg3[%add3A_446, %dma_wait3A_454] : memref<1024x200xi32, #tpu.memory_space<hbm>> -> memref<1x200xi32, #tpu.memory_space<hbm>>
    %dma_wait3A_456 = tpu.memref_squeeze %dma_wait3A_455 : memref<1x200xi32, #tpu.memory_space<hbm>> -> memref<200xi32, #tpu.memory_space<hbm>>
    tpu.wait_dma2 semaphore(%arg17 : memref<!tpu.dma_semaphore, #tpu.memory_space<semaphore_mem>>) src(%dma_wait3A_456 : memref<200xi32, #tpu.memory_space<hbm>>) dst(%dma_wait3A_453 : memref<200xi32, #tpu.memory_space<vmem>>)
    %add3A_457 = arith.constant 6 : i32
    %add3A_458 = arith.addi %mul3A_2, %add3A_457 : i32
    %dma_wait3A_459 = arith.constant 1200 : i32
    %dma_wait3A_460 = tpu.memref_slice %arg8[%dma_wait3A_459] : memref<6400xi32, #tpu.memory_space<vmem>> -> memref<200xi32, #tpu.memory_space<vmem>>
    %dma_wait3A_461 = arith.constant 0 : i32
    %dma_wait3A_462 = tpu.memref_slice %arg3[%add3A_458, %dma_wait3A_461] : memref<1024x200xi32, #tpu.memory_space<hbm>> -> memref<1x200xi32, #tpu.memory_space<hbm>>
    %dma_wait3A_463 = tpu.memref_squeeze %dma_wait3A_462 : memref<1x200xi32, #tpu.memory_space<hbm>> -> memref<200xi32, #tpu.memory_space<hbm>>
    %dma_wait3A_464 = arith.constant 1200 : i32
    %dma_wait3A_465 = tpu.memref_slice %arg8[%dma_wait3A_464] : memref<6400xi32, #tpu.memory_space<vmem>> -> memref<200xi32, #tpu.memory_space<vmem>>
    %dma_wait3A_466 = arith.constant 0 : i32
    %dma_wait3A_467 = tpu.memref_slice %arg3[%add3A_458, %dma_wait3A_466] : memref<1024x200xi32, #tpu.memory_space<hbm>> -> memref<1x200xi32, #tpu.memory_space<hbm>>
    %dma_wait3A_468 = tpu.memref_squeeze %dma_wait3A_467 : memref<1x200xi32, #tpu.memory_space<hbm>> -> memref<200xi32, #tpu.memory_space<hbm>>
    tpu.wait_dma2 semaphore(%arg17 : memref<!tpu.dma_semaphore, #tpu.memory_space<semaphore_mem>>) src(%dma_wait3A_468 : memref<200xi32, #tpu.memory_space<hbm>>) dst(%dma_wait3A_465 : memref<200xi32, #tpu.memory_space<vmem>>)
    %add3A_469 = arith.constant 7 : i32
    %add3A_470 = arith.addi %mul3A_2, %add3A_469 : i32
    %dma_wait3A_471 = arith.constant 1400 : i32
    %dma_wait3A_472 = tpu.memref_slice %arg8[%dma_wait3A_471] : memref<6400xi32, #tpu.memory_space<vmem>> -> memref<200xi32, #tpu.memory_space<vmem>>
    %dma_wait3A_473 = arith.constant 0 : i32
    %dma_wait3A_474 = tpu.memref_slice %arg3[%add3A_470, %dma_wait3A_473] : memref<1024x200xi32, #tpu.memory_space<hbm>> -> memref<1x200xi32, #tpu.memory_space<hbm>>
    %dma_wait3A_475 = tpu.memref_squeeze %dma_wait3A_474 : memref<1x200xi32, #tpu.memory_space<hbm>> -> memref<200xi32, #tpu.memory_space<hbm>>
    %dma_wait3A_476 = arith.constant 1400 : i32
    %dma_wait3A_477 = tpu.memref_slice %arg8[%dma_wait3A_476] : memref<6400xi32, #tpu.memory_space<vmem>> -> memref<200xi32, #tpu.memory_space<vmem>>
    %dma_wait3A_478 = arith.constant 0 : i32
    %dma_wait3A_479 = tpu.memref_slice %arg3[%add3A_470, %dma_wait3A_478] : memref<1024x200xi32, #tpu.memory_space<hbm>> -> memref<1x200xi32, #tpu.memory_space<hbm>>
    %dma_wait3A_480 = tpu.memref_squeeze %dma_wait3A_479 : memref<1x200xi32, #tpu.memory_space<hbm>> -> memref<200xi32, #tpu.memory_space<hbm>>
    tpu.wait_dma2 semaphore(%arg17 : memref<!tpu.dma_semaphore, #tpu.memory_space<semaphore_mem>>) src(%dma_wait3A_480 : memref<200xi32, #tpu.memory_space<hbm>>) dst(%dma_wait3A_477 : memref<200xi32, #tpu.memory_space<vmem>>)
    %add3A_481 = arith.constant 8 : i32
    %add3A_482 = arith.addi %mul3A_2, %add3A_481 : i32
    %dma_wait3A_483 = arith.constant 1600 : i32
    %dma_wait3A_484 = tpu.memref_slice %arg8[%dma_wait3A_483] : memref<6400xi32, #tpu.memory_space<vmem>> -> memref<200xi32, #tpu.memory_space<vmem>>
    %dma_wait3A_485 = arith.constant 0 : i32
    %dma_wait3A_486 = tpu.memref_slice %arg3[%add3A_482, %dma_wait3A_485] : memref<1024x200xi32, #tpu.memory_space<hbm>> -> memref<1x200xi32, #tpu.memory_space<hbm>>
    %dma_wait3A_487 = tpu.memref_squeeze %dma_wait3A_486 : memref<1x200xi32, #tpu.memory_space<hbm>> -> memref<200xi32, #tpu.memory_space<hbm>>
    %dma_wait3A_488 = arith.constant 1600 : i32
    %dma_wait3A_489 = tpu.memref_slice %arg8[%dma_wait3A_488] : memref<6400xi32, #tpu.memory_space<vmem>> -> memref<200xi32, #tpu.memory_space<vmem>>
    %dma_wait3A_490 = arith.constant 0 : i32
    %dma_wait3A_491 = tpu.memref_slice %arg3[%add3A_482, %dma_wait3A_490] : memref<1024x200xi32, #tpu.memory_space<hbm>> -> memref<1x200xi32, #tpu.memory_space<hbm>>
    %dma_wait3A_492 = tpu.memref_squeeze %dma_wait3A_491 : memref<1x200xi32, #tpu.memory_space<hbm>> -> memref<200xi32, #tpu.memory_space<hbm>>
    tpu.wait_dma2 semaphore(%arg17 : memref<!tpu.dma_semaphore, #tpu.memory_space<semaphore_mem>>) src(%dma_wait3A_492 : memref<200xi32, #tpu.memory_space<hbm>>) dst(%dma_wait3A_489 : memref<200xi32, #tpu.memory_space<vmem>>)
    %add3A_493 = arith.constant 9 : i32
    %add3A_494 = arith.addi %mul3A_2, %add3A_493 : i32
    %dma_wait3A_495 = arith.constant 1800 : i32
    %dma_wait3A_496 = tpu.memref_slice %arg8[%dma_wait3A_495] : memref<6400xi32, #tpu.memory_space<vmem>> -> memref<200xi32, #tpu.memory_space<vmem>>
    %dma_wait3A_497 = arith.constant 0 : i32
    %dma_wait3A_498 = tpu.memref_slice %arg3[%add3A_494, %dma_wait3A_497] : memref<1024x200xi32, #tpu.memory_space<hbm>> -> memref<1x200xi32, #tpu.memory_space<hbm>>
    %dma_wait3A_499 = tpu.memref_squeeze %dma_wait3A_498 : memref<1x200xi32, #tpu.memory_space<hbm>> -> memref<200xi32, #tpu.memory_space<hbm>>
    %dma_wait3A_500 = arith.constant 1800 : i32
    %dma_wait3A_501 = tpu.memref_slice %arg8[%dma_wait3A_500] : memref<6400xi32, #tpu.memory_space<vmem>> -> memref<200xi32, #tpu.memory_space<vmem>>
    %dma_wait3A_502 = arith.constant 0 : i32
    %dma_wait3A_503 = tpu.memref_slice %arg3[%add3A_494, %dma_wait3A_502] : memref<1024x200xi32, #tpu.memory_space<hbm>> -> memref<1x200xi32, #tpu.memory_space<hbm>>
    %dma_wait3A_504 = tpu.memref_squeeze %dma_wait3A_503 : memref<1x200xi32, #tpu.memory_space<hbm>> -> memref<200xi32, #tpu.memory_space<hbm>>
    tpu.wait_dma2 semaphore(%arg17 : memref<!tpu.dma_semaphore, #tpu.memory_space<semaphore_mem>>) src(%dma_wait3A_504 : memref<200xi32, #tpu.memory_space<hbm>>) dst(%dma_wait3A_501 : memref<200xi32, #tpu.memory_space<vmem>>)
    %add3A_505 = arith.constant 10 : i32
    %add3A_506 = arith.addi %mul3A_2, %add3A_505 : i32
    %dma_wait3A_507 = arith.constant 2000 : i32
    %dma_wait3A_508 = tpu.memref_slice %arg8[%dma_wait3A_507] : memref<6400xi32, #tpu.memory_space<vmem>> -> memref<200xi32, #tpu.memory_space<vmem>>
    %dma_wait3A_509 = arith.constant 0 : i32
    %dma_wait3A_510 = tpu.memref_slice %arg3[%add3A_506, %dma_wait3A_509] : memref<1024x200xi32, #tpu.memory_space<hbm>> -> memref<1x200xi32, #tpu.memory_space<hbm>>
    %dma_wait3A_511 = tpu.memref_squeeze %dma_wait3A_510 : memref<1x200xi32, #tpu.memory_space<hbm>> -> memref<200xi32, #tpu.memory_space<hbm>>
    %dma_wait3A_512 = arith.constant 2000 : i32
    %dma_wait3A_513 = tpu.memref_slice %arg8[%dma_wait3A_512] : memref<6400xi32, #tpu.memory_space<vmem>> -> memref<200xi32, #tpu.memory_space<vmem>>
    %dma_wait3A_514 = arith.constant 0 : i32
    %dma_wait3A_515 = tpu.memref_slice %arg3[%add3A_506, %dma_wait3A_514] : memref<1024x200xi32, #tpu.memory_space<hbm>> -> memref<1x200xi32, #tpu.memory_space<hbm>>
    %dma_wait3A_516 = tpu.memref_squeeze %dma_wait3A_515 : memref<1x200xi32, #tpu.memory_space<hbm>> -> memref<200xi32, #tpu.memory_space<hbm>>
    tpu.wait_dma2 semaphore(%arg17 : memref<!tpu.dma_semaphore, #tpu.memory_space<semaphore_mem>>) src(%dma_wait3A_516 : memref<200xi32, #tpu.memory_space<hbm>>) dst(%dma_wait3A_513 : memref<200xi32, #tpu.memory_space<vmem>>)
    %add3A_517 = arith.constant 11 : i32
    %add3A_518 = arith.addi %mul3A_2, %add3A_517 : i32
    %dma_wait3A_519 = arith.constant 2200 : i32
    %dma_wait3A_520 = tpu.memref_slice %arg8[%dma_wait3A_519] : memref<6400xi32, #tpu.memory_space<vmem>> -> memref<200xi32, #tpu.memory_space<vmem>>
    %dma_wait3A_521 = arith.constant 0 : i32
    %dma_wait3A_522 = tpu.memref_slice %arg3[%add3A_518, %dma_wait3A_521] : memref<1024x200xi32, #tpu.memory_space<hbm>> -> memref<1x200xi32, #tpu.memory_space<hbm>>
    %dma_wait3A_523 = tpu.memref_squeeze %dma_wait3A_522 : memref<1x200xi32, #tpu.memory_space<hbm>> -> memref<200xi32, #tpu.memory_space<hbm>>
    %dma_wait3A_524 = arith.constant 2200 : i32
    %dma_wait3A_525 = tpu.memref_slice %arg8[%dma_wait3A_524] : memref<6400xi32, #tpu.memory_space<vmem>> -> memref<200xi32, #tpu.memory_space<vmem>>
    %dma_wait3A_526 = arith.constant 0 : i32
    %dma_wait3A_527 = tpu.memref_slice %arg3[%add3A_518, %dma_wait3A_526] : memref<1024x200xi32, #tpu.memory_space<hbm>> -> memref<1x200xi32, #tpu.memory_space<hbm>>
    %dma_wait3A_528 = tpu.memref_squeeze %dma_wait3A_527 : memref<1x200xi32, #tpu.memory_space<hbm>> -> memref<200xi32, #tpu.memory_space<hbm>>
    tpu.wait_dma2 semaphore(%arg17 : memref<!tpu.dma_semaphore, #tpu.memory_space<semaphore_mem>>) src(%dma_wait3A_528 : memref<200xi32, #tpu.memory_space<hbm>>) dst(%dma_wait3A_525 : memref<200xi32, #tpu.memory_space<vmem>>)
    %add3A_529 = arith.constant 12 : i32
    %add3A_530 = arith.addi %mul3A_2, %add3A_529 : i32
    %dma_wait3A_531 = arith.constant 2400 : i32
    %dma_wait3A_532 = tpu.memref_slice %arg8[%dma_wait3A_531] : memref<6400xi32, #tpu.memory_space<vmem>> -> memref<200xi32, #tpu.memory_space<vmem>>
    %dma_wait3A_533 = arith.constant 0 : i32
    %dma_wait3A_534 = tpu.memref_slice %arg3[%add3A_530, %dma_wait3A_533] : memref<1024x200xi32, #tpu.memory_space<hbm>> -> memref<1x200xi32, #tpu.memory_space<hbm>>
    %dma_wait3A_535 = tpu.memref_squeeze %dma_wait3A_534 : memref<1x200xi32, #tpu.memory_space<hbm>> -> memref<200xi32, #tpu.memory_space<hbm>>
    %dma_wait3A_536 = arith.constant 2400 : i32
    %dma_wait3A_537 = tpu.memref_slice %arg8[%dma_wait3A_536] : memref<6400xi32, #tpu.memory_space<vmem>> -> memref<200xi32, #tpu.memory_space<vmem>>
    %dma_wait3A_538 = arith.constant 0 : i32
    %dma_wait3A_539 = tpu.memref_slice %arg3[%add3A_530, %dma_wait3A_538] : memref<1024x200xi32, #tpu.memory_space<hbm>> -> memref<1x200xi32, #tpu.memory_space<hbm>>
    %dma_wait3A_540 = tpu.memref_squeeze %dma_wait3A_539 : memref<1x200xi32, #tpu.memory_space<hbm>> -> memref<200xi32, #tpu.memory_space<hbm>>
    tpu.wait_dma2 semaphore(%arg17 : memref<!tpu.dma_semaphore, #tpu.memory_space<semaphore_mem>>) src(%dma_wait3A_540 : memref<200xi32, #tpu.memory_space<hbm>>) dst(%dma_wait3A_537 : memref<200xi32, #tpu.memory_space<vmem>>)
    %add3A_541 = arith.constant 13 : i32
    %add3A_542 = arith.addi %mul3A_2, %add3A_541 : i32
    %dma_wait3A_543 = arith.constant 2600 : i32
    %dma_wait3A_544 = tpu.memref_slice %arg8[%dma_wait3A_543] : memref<6400xi32, #tpu.memory_space<vmem>> -> memref<200xi32, #tpu.memory_space<vmem>>
    %dma_wait3A_545 = arith.constant 0 : i32
    %dma_wait3A_546 = tpu.memref_slice %arg3[%add3A_542, %dma_wait3A_545] : memref<1024x200xi32, #tpu.memory_space<hbm>> -> memref<1x200xi32, #tpu.memory_space<hbm>>
    %dma_wait3A_547 = tpu.memref_squeeze %dma_wait3A_546 : memref<1x200xi32, #tpu.memory_space<hbm>> -> memref<200xi32, #tpu.memory_space<hbm>>
    %dma_wait3A_548 = arith.constant 2600 : i32
    %dma_wait3A_549 = tpu.memref_slice %arg8[%dma_wait3A_548] : memref<6400xi32, #tpu.memory_space<vmem>> -> memref<200xi32, #tpu.memory_space<vmem>>
    %dma_wait3A_550 = arith.constant 0 : i32
    %dma_wait3A_551 = tpu.memref_slice %arg3[%add3A_542, %dma_wait3A_550] : memref<1024x200xi32, #tpu.memory_space<hbm>> -> memref<1x200xi32, #tpu.memory_space<hbm>>
    %dma_wait3A_552 = tpu.memref_squeeze %dma_wait3A_551 : memref<1x200xi32, #tpu.memory_space<hbm>> -> memref<200xi32, #tpu.memory_space<hbm>>
    tpu.wait_dma2 semaphore(%arg17 : memref<!tpu.dma_semaphore, #tpu.memory_space<semaphore_mem>>) src(%dma_wait3A_552 : memref<200xi32, #tpu.memory_space<hbm>>) dst(%dma_wait3A_549 : memref<200xi32, #tpu.memory_space<vmem>>)
    %add3A_553 = arith.constant 14 : i32
    %add3A_554 = arith.addi %mul3A_2, %add3A_553 : i32
    %dma_wait3A_555 = arith.constant 2800 : i32
    %dma_wait3A_556 = tpu.memref_slice %arg8[%dma_wait3A_555] : memref<6400xi32, #tpu.memory_space<vmem>> -> memref<200xi32, #tpu.memory_space<vmem>>
    %dma_wait3A_557 = arith.constant 0 : i32
    %dma_wait3A_558 = tpu.memref_slice %arg3[%add3A_554, %dma_wait3A_557] : memref<1024x200xi32, #tpu.memory_space<hbm>> -> memref<1x200xi32, #tpu.memory_space<hbm>>
    %dma_wait3A_559 = tpu.memref_squeeze %dma_wait3A_558 : memref<1x200xi32, #tpu.memory_space<hbm>> -> memref<200xi32, #tpu.memory_space<hbm>>
    %dma_wait3A_560 = arith.constant 2800 : i32
    %dma_wait3A_561 = tpu.memref_slice %arg8[%dma_wait3A_560] : memref<6400xi32, #tpu.memory_space<vmem>> -> memref<200xi32, #tpu.memory_space<vmem>>
    %dma_wait3A_562 = arith.constant 0 : i32
    %dma_wait3A_563 = tpu.memref_slice %arg3[%add3A_554, %dma_wait3A_562] : memref<1024x200xi32, #tpu.memory_space<hbm>> -> memref<1x200xi32, #tpu.memory_space<hbm>>
    %dma_wait3A_564 = tpu.memref_squeeze %dma_wait3A_563 : memref<1x200xi32, #tpu.memory_space<hbm>> -> memref<200xi32, #tpu.memory_space<hbm>>
    tpu.wait_dma2 semaphore(%arg17 : memref<!tpu.dma_semaphore, #tpu.memory_space<semaphore_mem>>) src(%dma_wait3A_564 : memref<200xi32, #tpu.memory_space<hbm>>) dst(%dma_wait3A_561 : memref<200xi32, #tpu.memory_space<vmem>>)
    %add3A_565 = arith.constant 15 : i32
    %add3A_566 = arith.addi %mul3A_2, %add3A_565 : i32
    %dma_wait3A_567 = arith.constant 3000 : i32
    %dma_wait3A_568 = tpu.memref_slice %arg8[%dma_wait3A_567] : memref<6400xi32, #tpu.memory_space<vmem>> -> memref<200xi32, #tpu.memory_space<vmem>>
    %dma_wait3A_569 = arith.constant 0 : i32
    %dma_wait3A_570 = tpu.memref_slice %arg3[%add3A_566, %dma_wait3A_569] : memref<1024x200xi32, #tpu.memory_space<hbm>> -> memref<1x200xi32, #tpu.memory_space<hbm>>
    %dma_wait3A_571 = tpu.memref_squeeze %dma_wait3A_570 : memref<1x200xi32, #tpu.memory_space<hbm>> -> memref<200xi32, #tpu.memory_space<hbm>>
    %dma_wait3A_572 = arith.constant 3000 : i32
    %dma_wait3A_573 = tpu.memref_slice %arg8[%dma_wait3A_572] : memref<6400xi32, #tpu.memory_space<vmem>> -> memref<200xi32, #tpu.memory_space<vmem>>
    %dma_wait3A_574 = arith.constant 0 : i32
    %dma_wait3A_575 = tpu.memref_slice %arg3[%add3A_566, %dma_wait3A_574] : memref<1024x200xi32, #tpu.memory_space<hbm>> -> memref<1x200xi32, #tpu.memory_space<hbm>>
    %dma_wait3A_576 = tpu.memref_squeeze %dma_wait3A_575 : memref<1x200xi32, #tpu.memory_space<hbm>> -> memref<200xi32, #tpu.memory_space<hbm>>
    tpu.wait_dma2 semaphore(%arg17 : memref<!tpu.dma_semaphore, #tpu.memory_space<semaphore_mem>>) src(%dma_wait3A_576 : memref<200xi32, #tpu.memory_space<hbm>>) dst(%dma_wait3A_573 : memref<200xi32, #tpu.memory_space<vmem>>)
    %add3A_577 = arith.constant 16 : i32
    %add3A_578 = arith.addi %mul3A_2, %add3A_577 : i32
    %dma_wait3A_579 = arith.constant 3200 : i32
    %dma_wait3A_580 = tpu.memref_slice %arg8[%dma_wait3A_579] : memref<6400xi32, #tpu.memory_space<vmem>> -> memref<200xi32, #tpu.memory_space<vmem>>
    %dma_wait3A_581 = arith.constant 0 : i32
    %dma_wait3A_582 = tpu.memref_slice %arg3[%add3A_578, %dma_wait3A_581] : memref<1024x200xi32, #tpu.memory_space<hbm>> -> memref<1x200xi32, #tpu.memory_space<hbm>>
    %dma_wait3A_583 = tpu.memref_squeeze %dma_wait3A_582 : memref<1x200xi32, #tpu.memory_space<hbm>> -> memref<200xi32, #tpu.memory_space<hbm>>
    %dma_wait3A_584 = arith.constant 3200 : i32
    %dma_wait3A_585 = tpu.memref_slice %arg8[%dma_wait3A_584] : memref<6400xi32, #tpu.memory_space<vmem>> -> memref<200xi32, #tpu.memory_space<vmem>>
    %dma_wait3A_586 = arith.constant 0 : i32
    %dma_wait3A_587 = tpu.memref_slice %arg3[%add3A_578, %dma_wait3A_586] : memref<1024x200xi32, #tpu.memory_space<hbm>> -> memref<1x200xi32, #tpu.memory_space<hbm>>
    %dma_wait3A_588 = tpu.memref_squeeze %dma_wait3A_587 : memref<1x200xi32, #tpu.memory_space<hbm>> -> memref<200xi32, #tpu.memory_space<hbm>>
    tpu.wait_dma2 semaphore(%arg17 : memref<!tpu.dma_semaphore, #tpu.memory_space<semaphore_mem>>) src(%dma_wait3A_588 : memref<200xi32, #tpu.memory_space<hbm>>) dst(%dma_wait3A_585 : memref<200xi32, #tpu.memory_space<vmem>>)
    %add3A_589 = arith.constant 17 : i32
    %add3A_590 = arith.addi %mul3A_2, %add3A_589 : i32
    %dma_wait3A_591 = arith.constant 3400 : i32
    %dma_wait3A_592 = tpu.memref_slice %arg8[%dma_wait3A_591] : memref<6400xi32, #tpu.memory_space<vmem>> -> memref<200xi32, #tpu.memory_space<vmem>>
    %dma_wait3A_593 = arith.constant 0 : i32
    %dma_wait3A_594 = tpu.memref_slice %arg3[%add3A_590, %dma_wait3A_593] : memref<1024x200xi32, #tpu.memory_space<hbm>> -> memref<1x200xi32, #tpu.memory_space<hbm>>
    %dma_wait3A_595 = tpu.memref_squeeze %dma_wait3A_594 : memref<1x200xi32, #tpu.memory_space<hbm>> -> memref<200xi32, #tpu.memory_space<hbm>>
    %dma_wait3A_596 = arith.constant 3400 : i32
    %dma_wait3A_597 = tpu.memref_slice %arg8[%dma_wait3A_596] : memref<6400xi32, #tpu.memory_space<vmem>> -> memref<200xi32, #tpu.memory_space<vmem>>
    %dma_wait3A_598 = arith.constant 0 : i32
    %dma_wait3A_599 = tpu.memref_slice %arg3[%add3A_590, %dma_wait3A_598] : memref<1024x200xi32, #tpu.memory_space<hbm>> -> memref<1x200xi32, #tpu.memory_space<hbm>>
    %dma_wait3A_600 = tpu.memref_squeeze %dma_wait3A_599 : memref<1x200xi32, #tpu.memory_space<hbm>> -> memref<200xi32, #tpu.memory_space<hbm>>
    tpu.wait_dma2 semaphore(%arg17 : memref<!tpu.dma_semaphore, #tpu.memory_space<semaphore_mem>>) src(%dma_wait3A_600 : memref<200xi32, #tpu.memory_space<hbm>>) dst(%dma_wait3A_597 : memref<200xi32, #tpu.memory_space<vmem>>)
    %add3A_601 = arith.constant 18 : i32
    %add3A_602 = arith.addi %mul3A_2, %add3A_601 : i32
    %dma_wait3A_603 = arith.constant 3600 : i32
    %dma_wait3A_604 = tpu.memref_slice %arg8[%dma_wait3A_603] : memref<6400xi32, #tpu.memory_space<vmem>> -> memref<200xi32, #tpu.memory_space<vmem>>
    %dma_wait3A_605 = arith.constant 0 : i32
    %dma_wait3A_606 = tpu.memref_slice %arg3[%add3A_602, %dma_wait3A_605] : memref<1024x200xi32, #tpu.memory_space<hbm>> -> memref<1x200xi32, #tpu.memory_space<hbm>>
    %dma_wait3A_607 = tpu.memref_squeeze %dma_wait3A_606 : memref<1x200xi32, #tpu.memory_space<hbm>> -> memref<200xi32, #tpu.memory_space<hbm>>
    %dma_wait3A_608 = arith.constant 3600 : i32
    %dma_wait3A_609 = tpu.memref_slice %arg8[%dma_wait3A_608] : memref<6400xi32, #tpu.memory_space<vmem>> -> memref<200xi32, #tpu.memory_space<vmem>>
    %dma_wait3A_610 = arith.constant 0 : i32
    %dma_wait3A_611 = tpu.memref_slice %arg3[%add3A_602, %dma_wait3A_610] : memref<1024x200xi32, #tpu.memory_space<hbm>> -> memref<1x200xi32, #tpu.memory_space<hbm>>
    %dma_wait3A_612 = tpu.memref_squeeze %dma_wait3A_611 : memref<1x200xi32, #tpu.memory_space<hbm>> -> memref<200xi32, #tpu.memory_space<hbm>>
    tpu.wait_dma2 semaphore(%arg17 : memref<!tpu.dma_semaphore, #tpu.memory_space<semaphore_mem>>) src(%dma_wait3A_612 : memref<200xi32, #tpu.memory_space<hbm>>) dst(%dma_wait3A_609 : memref<200xi32, #tpu.memory_space<vmem>>)
    %add3A_613 = arith.constant 19 : i32
    %add3A_614 = arith.addi %mul3A_2, %add3A_613 : i32
    %dma_wait3A_615 = arith.constant 3800 : i32
    %dma_wait3A_616 = tpu.memref_slice %arg8[%dma_wait3A_615] : memref<6400xi32, #tpu.memory_space<vmem>> -> memref<200xi32, #tpu.memory_space<vmem>>
    %dma_wait3A_617 = arith.constant 0 : i32
    %dma_wait3A_618 = tpu.memref_slice %arg3[%add3A_614, %dma_wait3A_617] : memref<1024x200xi32, #tpu.memory_space<hbm>> -> memref<1x200xi32, #tpu.memory_space<hbm>>
    %dma_wait3A_619 = tpu.memref_squeeze %dma_wait3A_618 : memref<1x200xi32, #tpu.memory_space<hbm>> -> memref<200xi32, #tpu.memory_space<hbm>>
    %dma_wait3A_620 = arith.constant 3800 : i32
    %dma_wait3A_621 = tpu.memref_slice %arg8[%dma_wait3A_620] : memref<6400xi32, #tpu.memory_space<vmem>> -> memref<200xi32, #tpu.memory_space<vmem>>
    %dma_wait3A_622 = arith.constant 0 : i32
    %dma_wait3A_623 = tpu.memref_slice %arg3[%add3A_614, %dma_wait3A_622] : memref<1024x200xi32, #tpu.memory_space<hbm>> -> memref<1x200xi32, #tpu.memory_space<hbm>>
    %dma_wait3A_624 = tpu.memref_squeeze %dma_wait3A_623 : memref<1x200xi32, #tpu.memory_space<hbm>> -> memref<200xi32, #tpu.memory_space<hbm>>
    tpu.wait_dma2 semaphore(%arg17 : memref<!tpu.dma_semaphore, #tpu.memory_space<semaphore_mem>>) src(%dma_wait3A_624 : memref<200xi32, #tpu.memory_space<hbm>>) dst(%dma_wait3A_621 : memref<200xi32, #tpu.memory_space<vmem>>)
    %add3A_625 = arith.constant 20 : i32
    %add3A_626 = arith.addi %mul3A_2, %add3A_625 : i32
    %dma_wait3A_627 = arith.constant 4000 : i32
    %dma_wait3A_628 = tpu.memref_slice %arg8[%dma_wait3A_627] : memref<6400xi32, #tpu.memory_space<vmem>> -> memref<200xi32, #tpu.memory_space<vmem>>
    %dma_wait3A_629 = arith.constant 0 : i32
    %dma_wait3A_630 = tpu.memref_slice %arg3[%add3A_626, %dma_wait3A_629] : memref<1024x200xi32, #tpu.memory_space<hbm>> -> memref<1x200xi32, #tpu.memory_space<hbm>>
    %dma_wait3A_631 = tpu.memref_squeeze %dma_wait3A_630 : memref<1x200xi32, #tpu.memory_space<hbm>> -> memref<200xi32, #tpu.memory_space<hbm>>
    %dma_wait3A_632 = arith.constant 4000 : i32
    %dma_wait3A_633 = tpu.memref_slice %arg8[%dma_wait3A_632] : memref<6400xi32, #tpu.memory_space<vmem>> -> memref<200xi32, #tpu.memory_space<vmem>>
    %dma_wait3A_634 = arith.constant 0 : i32
    %dma_wait3A_635 = tpu.memref_slice %arg3[%add3A_626, %dma_wait3A_634] : memref<1024x200xi32, #tpu.memory_space<hbm>> -> memref<1x200xi32, #tpu.memory_space<hbm>>
    %dma_wait3A_636 = tpu.memref_squeeze %dma_wait3A_635 : memref<1x200xi32, #tpu.memory_space<hbm>> -> memref<200xi32, #tpu.memory_space<hbm>>
    tpu.wait_dma2 semaphore(%arg17 : memref<!tpu.dma_semaphore, #tpu.memory_space<semaphore_mem>>) src(%dma_wait3A_636 : memref<200xi32, #tpu.memory_space<hbm>>) dst(%dma_wait3A_633 : memref<200xi32, #tpu.memory_space<vmem>>)
    %add3A_637 = arith.constant 21 : i32
    %add3A_638 = arith.addi %mul3A_2, %add3A_637 : i32
    %dma_wait3A_639 = arith.constant 4200 : i32
    %dma_wait3A_640 = tpu.memref_slice %arg8[%dma_wait3A_639] : memref<6400xi32, #tpu.memory_space<vmem>> -> memref<200xi32, #tpu.memory_space<vmem>>
    %dma_wait3A_641 = arith.constant 0 : i32
    %dma_wait3A_642 = tpu.memref_slice %arg3[%add3A_638, %dma_wait3A_641] : memref<1024x200xi32, #tpu.memory_space<hbm>> -> memref<1x200xi32, #tpu.memory_space<hbm>>
    %dma_wait3A_643 = tpu.memref_squeeze %dma_wait3A_642 : memref<1x200xi32, #tpu.memory_space<hbm>> -> memref<200xi32, #tpu.memory_space<hbm>>
    %dma_wait3A_644 = arith.constant 4200 : i32
    %dma_wait3A_645 = tpu.memref_slice %arg8[%dma_wait3A_644] : memref<6400xi32, #tpu.memory_space<vmem>> -> memref<200xi32, #tpu.memory_space<vmem>>
    %dma_wait3A_646 = arith.constant 0 : i32
    %dma_wait3A_647 = tpu.memref_slice %arg3[%add3A_638, %dma_wait3A_646] : memref<1024x200xi32, #tpu.memory_space<hbm>> -> memref<1x200xi32, #tpu.memory_space<hbm>>
    %dma_wait3A_648 = tpu.memref_squeeze %dma_wait3A_647 : memref<1x200xi32, #tpu.memory_space<hbm>> -> memref<200xi32, #tpu.memory_space<hbm>>
    tpu.wait_dma2 semaphore(%arg17 : memref<!tpu.dma_semaphore, #tpu.memory_space<semaphore_mem>>) src(%dma_wait3A_648 : memref<200xi32, #tpu.memory_space<hbm>>) dst(%dma_wait3A_645 : memref<200xi32, #tpu.memory_space<vmem>>)
    %add3A_649 = arith.constant 22 : i32
    %add3A_650 = arith.addi %mul3A_2, %add3A_649 : i32
    %dma_wait3A_651 = arith.constant 4400 : i32
    %dma_wait3A_652 = tpu.memref_slice %arg8[%dma_wait3A_651] : memref<6400xi32, #tpu.memory_space<vmem>> -> memref<200xi32, #tpu.memory_space<vmem>>
    %dma_wait3A_653 = arith.constant 0 : i32
    %dma_wait3A_654 = tpu.memref_slice %arg3[%add3A_650, %dma_wait3A_653] : memref<1024x200xi32, #tpu.memory_space<hbm>> -> memref<1x200xi32, #tpu.memory_space<hbm>>
    %dma_wait3A_655 = tpu.memref_squeeze %dma_wait3A_654 : memref<1x200xi32, #tpu.memory_space<hbm>> -> memref<200xi32, #tpu.memory_space<hbm>>
    %dma_wait3A_656 = arith.constant 4400 : i32
    %dma_wait3A_657 = tpu.memref_slice %arg8[%dma_wait3A_656] : memref<6400xi32, #tpu.memory_space<vmem>> -> memref<200xi32, #tpu.memory_space<vmem>>
    %dma_wait3A_658 = arith.constant 0 : i32
    %dma_wait3A_659 = tpu.memref_slice %arg3[%add3A_650, %dma_wait3A_658] : memref<1024x200xi32, #tpu.memory_space<hbm>> -> memref<1x200xi32, #tpu.memory_space<hbm>>
    %dma_wait3A_660 = tpu.memref_squeeze %dma_wait3A_659 : memref<1x200xi32, #tpu.memory_space<hbm>> -> memref<200xi32, #tpu.memory_space<hbm>>
    tpu.wait_dma2 semaphore(%arg17 : memref<!tpu.dma_semaphore, #tpu.memory_space<semaphore_mem>>) src(%dma_wait3A_660 : memref<200xi32, #tpu.memory_space<hbm>>) dst(%dma_wait3A_657 : memref<200xi32, #tpu.memory_space<vmem>>)
    %add3A_661 = arith.constant 23 : i32
    %add3A_662 = arith.addi %mul3A_2, %add3A_661 : i32
    %dma_wait3A_663 = arith.constant 4600 : i32
    %dma_wait3A_664 = tpu.memref_slice %arg8[%dma_wait3A_663] : memref<6400xi32, #tpu.memory_space<vmem>> -> memref<200xi32, #tpu.memory_space<vmem>>
    %dma_wait3A_665 = arith.constant 0 : i32
    %dma_wait3A_666 = tpu.memref_slice %arg3[%add3A_662, %dma_wait3A_665] : memref<1024x200xi32, #tpu.memory_space<hbm>> -> memref<1x200xi32, #tpu.memory_space<hbm>>
    %dma_wait3A_667 = tpu.memref_squeeze %dma_wait3A_666 : memref<1x200xi32, #tpu.memory_space<hbm>> -> memref<200xi32, #tpu.memory_space<hbm>>
    %dma_wait3A_668 = arith.constant 4600 : i32
    %dma_wait3A_669 = tpu.memref_slice %arg8[%dma_wait3A_668] : memref<6400xi32, #tpu.memory_space<vmem>> -> memref<200xi32, #tpu.memory_space<vmem>>
    %dma_wait3A_670 = arith.constant 0 : i32
    %dma_wait3A_671 = tpu.memref_slice %arg3[%add3A_662, %dma_wait3A_670] : memref<1024x200xi32, #tpu.memory_space<hbm>> -> memref<1x200xi32, #tpu.memory_space<hbm>>
    %dma_wait3A_672 = tpu.memref_squeeze %dma_wait3A_671 : memref<1x200xi32, #tpu.memory_space<hbm>> -> memref<200xi32, #tpu.memory_space<hbm>>
    tpu.wait_dma2 semaphore(%arg17 : memref<!tpu.dma_semaphore, #tpu.memory_space<semaphore_mem>>) src(%dma_wait3A_672 : memref<200xi32, #tpu.memory_space<hbm>>) dst(%dma_wait3A_669 : memref<200xi32, #tpu.memory_space<vmem>>)
    %add3A_673 = arith.constant 24 : i32
    %add3A_674 = arith.addi %mul3A_2, %add3A_673 : i32
    %dma_wait3A_675 = arith.constant 4800 : i32
    %dma_wait3A_676 = tpu.memref_slice %arg8[%dma_wait3A_675] : memref<6400xi32, #tpu.memory_space<vmem>> -> memref<200xi32, #tpu.memory_space<vmem>>
    %dma_wait3A_677 = arith.constant 0 : i32
    %dma_wait3A_678 = tpu.memref_slice %arg3[%add3A_674, %dma_wait3A_677] : memref<1024x200xi32, #tpu.memory_space<hbm>> -> memref<1x200xi32, #tpu.memory_space<hbm>>
    %dma_wait3A_679 = tpu.memref_squeeze %dma_wait3A_678 : memref<1x200xi32, #tpu.memory_space<hbm>> -> memref<200xi32, #tpu.memory_space<hbm>>
    %dma_wait3A_680 = arith.constant 4800 : i32
    %dma_wait3A_681 = tpu.memref_slice %arg8[%dma_wait3A_680] : memref<6400xi32, #tpu.memory_space<vmem>> -> memref<200xi32, #tpu.memory_space<vmem>>
    %dma_wait3A_682 = arith.constant 0 : i32
    %dma_wait3A_683 = tpu.memref_slice %arg3[%add3A_674, %dma_wait3A_682] : memref<1024x200xi32, #tpu.memory_space<hbm>> -> memref<1x200xi32, #tpu.memory_space<hbm>>
    %dma_wait3A_684 = tpu.memref_squeeze %dma_wait3A_683 : memref<1x200xi32, #tpu.memory_space<hbm>> -> memref<200xi32, #tpu.memory_space<hbm>>
    tpu.wait_dma2 semaphore(%arg17 : memref<!tpu.dma_semaphore, #tpu.memory_space<semaphore_mem>>) src(%dma_wait3A_684 : memref<200xi32, #tpu.memory_space<hbm>>) dst(%dma_wait3A_681 : memref<200xi32, #tpu.memory_space<vmem>>)
    %add3A_685 = arith.constant 25 : i32
    %add3A_686 = arith.addi %mul3A_2, %add3A_685 : i32
    %dma_wait3A_687 = arith.constant 5000 : i32
    %dma_wait3A_688 = tpu.memref_slice %arg8[%dma_wait3A_687] : memref<6400xi32, #tpu.memory_space<vmem>> -> memref<200xi32, #tpu.memory_space<vmem>>
    %dma_wait3A_689 = arith.constant 0 : i32
    %dma_wait3A_690 = tpu.memref_slice %arg3[%add3A_686, %dma_wait3A_689] : memref<1024x200xi32, #tpu.memory_space<hbm>> -> memref<1x200xi32, #tpu.memory_space<hbm>>
    %dma_wait3A_691 = tpu.memref_squeeze %dma_wait3A_690 : memref<1x200xi32, #tpu.memory_space<hbm>> -> memref<200xi32, #tpu.memory_space<hbm>>
    %dma_wait3A_692 = arith.constant 5000 : i32
    %dma_wait3A_693 = tpu.memref_slice %arg8[%dma_wait3A_692] : memref<6400xi32, #tpu.memory_space<vmem>> -> memref<200xi32, #tpu.memory_space<vmem>>
    %dma_wait3A_694 = arith.constant 0 : i32
    %dma_wait3A_695 = tpu.memref_slice %arg3[%add3A_686, %dma_wait3A_694] : memref<1024x200xi32, #tpu.memory_space<hbm>> -> memref<1x200xi32, #tpu.memory_space<hbm>>
    %dma_wait3A_696 = tpu.memref_squeeze %dma_wait3A_695 : memref<1x200xi32, #tpu.memory_space<hbm>> -> memref<200xi32, #tpu.memory_space<hbm>>
    tpu.wait_dma2 semaphore(%arg17 : memref<!tpu.dma_semaphore, #tpu.memory_space<semaphore_mem>>) src(%dma_wait3A_696 : memref<200xi32, #tpu.memory_space<hbm>>) dst(%dma_wait3A_693 : memref<200xi32, #tpu.memory_space<vmem>>)
    %add3A_697 = arith.constant 26 : i32
    %add3A_698 = arith.addi %mul3A_2, %add3A_697 : i32
    %dma_wait3A_699 = arith.constant 5200 : i32
    %dma_wait3A_700 = tpu.memref_slice %arg8[%dma_wait3A_699] : memref<6400xi32, #tpu.memory_space<vmem>> -> memref<200xi32, #tpu.memory_space<vmem>>
    %dma_wait3A_701 = arith.constant 0 : i32
    %dma_wait3A_702 = tpu.memref_slice %arg3[%add3A_698, %dma_wait3A_701] : memref<1024x200xi32, #tpu.memory_space<hbm>> -> memref<1x200xi32, #tpu.memory_space<hbm>>
    %dma_wait3A_703 = tpu.memref_squeeze %dma_wait3A_702 : memref<1x200xi32, #tpu.memory_space<hbm>> -> memref<200xi32, #tpu.memory_space<hbm>>
    %dma_wait3A_704 = arith.constant 5200 : i32
    %dma_wait3A_705 = tpu.memref_slice %arg8[%dma_wait3A_704] : memref<6400xi32, #tpu.memory_space<vmem>> -> memref<200xi32, #tpu.memory_space<vmem>>
    %dma_wait3A_706 = arith.constant 0 : i32
    %dma_wait3A_707 = tpu.memref_slice %arg3[%add3A_698, %dma_wait3A_706] : memref<1024x200xi32, #tpu.memory_space<hbm>> -> memref<1x200xi32, #tpu.memory_space<hbm>>
    %dma_wait3A_708 = tpu.memref_squeeze %dma_wait3A_707 : memref<1x200xi32, #tpu.memory_space<hbm>> -> memref<200xi32, #tpu.memory_space<hbm>>
    tpu.wait_dma2 semaphore(%arg17 : memref<!tpu.dma_semaphore, #tpu.memory_space<semaphore_mem>>) src(%dma_wait3A_708 : memref<200xi32, #tpu.memory_space<hbm>>) dst(%dma_wait3A_705 : memref<200xi32, #tpu.memory_space<vmem>>)
    %add3A_709 = arith.constant 27 : i32
    %add3A_710 = arith.addi %mul3A_2, %add3A_709 : i32
    %dma_wait3A_711 = arith.constant 5400 : i32
    %dma_wait3A_712 = tpu.memref_slice %arg8[%dma_wait3A_711] : memref<6400xi32, #tpu.memory_space<vmem>> -> memref<200xi32, #tpu.memory_space<vmem>>
    %dma_wait3A_713 = arith.constant 0 : i32
    %dma_wait3A_714 = tpu.memref_slice %arg3[%add3A_710, %dma_wait3A_713] : memref<1024x200xi32, #tpu.memory_space<hbm>> -> memref<1x200xi32, #tpu.memory_space<hbm>>
    %dma_wait3A_715 = tpu.memref_squeeze %dma_wait3A_714 : memref<1x200xi32, #tpu.memory_space<hbm>> -> memref<200xi32, #tpu.memory_space<hbm>>
    %dma_wait3A_716 = arith.constant 5400 : i32
    %dma_wait3A_717 = tpu.memref_slice %arg8[%dma_wait3A_716] : memref<6400xi32, #tpu.memory_space<vmem>> -> memref<200xi32, #tpu.memory_space<vmem>>
    %dma_wait3A_718 = arith.constant 0 : i32
    %dma_wait3A_719 = tpu.memref_slice %arg3[%add3A_710, %dma_wait3A_718] : memref<1024x200xi32, #tpu.memory_space<hbm>> -> memref<1x200xi32, #tpu.memory_space<hbm>>
    %dma_wait3A_720 = tpu.memref_squeeze %dma_wait3A_719 : memref<1x200xi32, #tpu.memory_space<hbm>> -> memref<200xi32, #tpu.memory_space<hbm>>
    tpu.wait_dma2 semaphore(%arg17 : memref<!tpu.dma_semaphore, #tpu.memory_space<semaphore_mem>>) src(%dma_wait3A_720 : memref<200xi32, #tpu.memory_space<hbm>>) dst(%dma_wait3A_717 : memref<200xi32, #tpu.memory_space<vmem>>)
    %add3A_721 = arith.constant 28 : i32
    %add3A_722 = arith.addi %mul3A_2, %add3A_721 : i32
    %dma_wait3A_723 = arith.constant 5600 : i32
    %dma_wait3A_724 = tpu.memref_slice %arg8[%dma_wait3A_723] : memref<6400xi32, #tpu.memory_space<vmem>> -> memref<200xi32, #tpu.memory_space<vmem>>
    %dma_wait3A_725 = arith.constant 0 : i32
    %dma_wait3A_726 = tpu.memref_slice %arg3[%add3A_722, %dma_wait3A_725] : memref<1024x200xi32, #tpu.memory_space<hbm>> -> memref<1x200xi32, #tpu.memory_space<hbm>>
    %dma_wait3A_727 = tpu.memref_squeeze %dma_wait3A_726 : memref<1x200xi32, #tpu.memory_space<hbm>> -> memref<200xi32, #tpu.memory_space<hbm>>
    %dma_wait3A_728 = arith.constant 5600 : i32
    %dma_wait3A_729 = tpu.memref_slice %arg8[%dma_wait3A_728] : memref<6400xi32, #tpu.memory_space<vmem>> -> memref<200xi32, #tpu.memory_space<vmem>>
    %dma_wait3A_730 = arith.constant 0 : i32
    %dma_wait3A_731 = tpu.memref_slice %arg3[%add3A_722, %dma_wait3A_730] : memref<1024x200xi32, #tpu.memory_space<hbm>> -> memref<1x200xi32, #tpu.memory_space<hbm>>
    %dma_wait3A_732 = tpu.memref_squeeze %dma_wait3A_731 : memref<1x200xi32, #tpu.memory_space<hbm>> -> memref<200xi32, #tpu.memory_space<hbm>>
    tpu.wait_dma2 semaphore(%arg17 : memref<!tpu.dma_semaphore, #tpu.memory_space<semaphore_mem>>) src(%dma_wait3A_732 : memref<200xi32, #tpu.memory_space<hbm>>) dst(%dma_wait3A_729 : memref<200xi32, #tpu.memory_space<vmem>>)
    %add3A_733 = arith.constant 29 : i32
    %add3A_734 = arith.addi %mul3A_2, %add3A_733 : i32
    %dma_wait3A_735 = arith.constant 5800 : i32
    %dma_wait3A_736 = tpu.memref_slice %arg8[%dma_wait3A_735] : memref<6400xi32, #tpu.memory_space<vmem>> -> memref<200xi32, #tpu.memory_space<vmem>>
    %dma_wait3A_737 = arith.constant 0 : i32
    %dma_wait3A_738 = tpu.memref_slice %arg3[%add3A_734, %dma_wait3A_737] : memref<1024x200xi32, #tpu.memory_space<hbm>> -> memref<1x200xi32, #tpu.memory_space<hbm>>
    %dma_wait3A_739 = tpu.memref_squeeze %dma_wait3A_738 : memref<1x200xi32, #tpu.memory_space<hbm>> -> memref<200xi32, #tpu.memory_space<hbm>>
    %dma_wait3A_740 = arith.constant 5800 : i32
    %dma_wait3A_741 = tpu.memref_slice %arg8[%dma_wait3A_740] : memref<6400xi32, #tpu.memory_space<vmem>> -> memref<200xi32, #tpu.memory_space<vmem>>
    %dma_wait3A_742 = arith.constant 0 : i32
    %dma_wait3A_743 = tpu.memref_slice %arg3[%add3A_734, %dma_wait3A_742] : memref<1024x200xi32, #tpu.memory_space<hbm>> -> memref<1x200xi32, #tpu.memory_space<hbm>>
    %dma_wait3A_744 = tpu.memref_squeeze %dma_wait3A_743 : memref<1x200xi32, #tpu.memory_space<hbm>> -> memref<200xi32, #tpu.memory_space<hbm>>
    tpu.wait_dma2 semaphore(%arg17 : memref<!tpu.dma_semaphore, #tpu.memory_space<semaphore_mem>>) src(%dma_wait3A_744 : memref<200xi32, #tpu.memory_space<hbm>>) dst(%dma_wait3A_741 : memref<200xi32, #tpu.memory_space<vmem>>)
    %add3A_745 = arith.constant 30 : i32
    %add3A_746 = arith.addi %mul3A_2, %add3A_745 : i32
    %dma_wait3A_747 = arith.constant 6000 : i32
    %dma_wait3A_748 = tpu.memref_slice %arg8[%dma_wait3A_747] : memref<6400xi32, #tpu.memory_space<vmem>> -> memref<200xi32, #tpu.memory_space<vmem>>
    %dma_wait3A_749 = arith.constant 0 : i32
    %dma_wait3A_750 = tpu.memref_slice %arg3[%add3A_746, %dma_wait3A_749] : memref<1024x200xi32, #tpu.memory_space<hbm>> -> memref<1x200xi32, #tpu.memory_space<hbm>>
    %dma_wait3A_751 = tpu.memref_squeeze %dma_wait3A_750 : memref<1x200xi32, #tpu.memory_space<hbm>> -> memref<200xi32, #tpu.memory_space<hbm>>
    %dma_wait3A_752 = arith.constant 6000 : i32
    %dma_wait3A_753 = tpu.memref_slice %arg8[%dma_wait3A_752] : memref<6400xi32, #tpu.memory_space<vmem>> -> memref<200xi32, #tpu.memory_space<vmem>>
    %dma_wait3A_754 = arith.constant 0 : i32
    %dma_wait3A_755 = tpu.memref_slice %arg3[%add3A_746, %dma_wait3A_754] : memref<1024x200xi32, #tpu.memory_space<hbm>> -> memref<1x200xi32, #tpu.memory_space<hbm>>
    %dma_wait3A_756 = tpu.memref_squeeze %dma_wait3A_755 : memref<1x200xi32, #tpu.memory_space<hbm>> -> memref<200xi32, #tpu.memory_space<hbm>>
    tpu.wait_dma2 semaphore(%arg17 : memref<!tpu.dma_semaphore, #tpu.memory_space<semaphore_mem>>) src(%dma_wait3A_756 : memref<200xi32, #tpu.memory_space<hbm>>) dst(%dma_wait3A_753 : memref<200xi32, #tpu.memory_space<vmem>>)
    %add3A_757 = arith.constant 31 : i32
    %add3A_758 = arith.addi %mul3A_2, %add3A_757 : i32
    %dma_wait3A_759 = arith.constant 6200 : i32
    %dma_wait3A_760 = tpu.memref_slice %arg8[%dma_wait3A_759] : memref<6400xi32, #tpu.memory_space<vmem>> -> memref<200xi32, #tpu.memory_space<vmem>>
    %dma_wait3A_761 = arith.constant 0 : i32
    %dma_wait3A_762 = tpu.memref_slice %arg3[%add3A_758, %dma_wait3A_761] : memref<1024x200xi32, #tpu.memory_space<hbm>> -> memref<1x200xi32, #tpu.memory_space<hbm>>
    %dma_wait3A_763 = tpu.memref_squeeze %dma_wait3A_762 : memref<1x200xi32, #tpu.memory_space<hbm>> -> memref<200xi32, #tpu.memory_space<hbm>>
    %dma_wait3A_764 = arith.constant 6200 : i32
    %dma_wait3A_765 = tpu.memref_slice %arg8[%dma_wait3A_764] : memref<6400xi32, #tpu.memory_space<vmem>> -> memref<200xi32, #tpu.memory_space<vmem>>
    %dma_wait3A_766 = arith.constant 0 : i32
    %dma_wait3A_767 = tpu.memref_slice %arg3[%add3A_758, %dma_wait3A_766] : memref<1024x200xi32, #tpu.memory_space<hbm>> -> memref<1x200xi32, #tpu.memory_space<hbm>>
    %dma_wait3A_768 = tpu.memref_squeeze %dma_wait3A_767 : memref<1x200xi32, #tpu.memory_space<hbm>> -> memref<200xi32, #tpu.memory_space<hbm>>
    tpu.wait_dma2 semaphore(%arg17 : memref<!tpu.dma_semaphore, #tpu.memory_space<semaphore_mem>>) src(%dma_wait3A_768 : memref<200xi32, #tpu.memory_space<hbm>>) dst(%dma_wait3A_765 : memref<200xi32, #tpu.memory_space<vmem>>)
    %iota3A = tpu.iota {dimensions = array<i32: 0>} : vector<16xi32>
    %scan3A = arith.constant 0 : i32
    %scan3A_769 = arith.constant 0 : i32
    %scan3A_770 = arith.constant 400 : i32
    %scan3A_771 = arith.addi %scan3A_769, %scan3A_770 : i32
    %scan3A_772 = arith.constant 1 : i32
    scf.for %scan3A_948 = %scan3A_769 to %scan3A_771 step %scan3A_772  : i32 {
      %mul3A_949 = arith.constant 16 : i32
      %mul3A_950 = arith.muli %scan3A_948, %mul3A_949 : i32
      %get3A = arith.index_cast %mul3A_950 : i32 to index
      %get3A_951 = tpu.vector_load %arg8[%get3A] {strides = array<i32>} : memref<6400xi32, #tpu.memory_space<vmem>>, vector<16xi32>,
      %get3A_952 = vector.shape_cast %get3A_951 : vector<16xi32> to vector<16xi32>
      %mul3A_953 = arith.constant 200 : i32
      %mul3A_954 = vector.broadcast %mul3A_953 : i32 to vector<16xi32>
      %mul3A_955 = arith.muli %get3A_952, %mul3A_954 : vector<16xi32>
      %add3A_956 = vector.broadcast %mul3A_950 : i32 to vector<16xi32>
      %add3A_957 = arith.addi %add3A_956, %iota3A : vector<16xi32>
      %rem3A = arith.constant 200 : i32
      %rem3A_958 = vector.broadcast %rem3A : i32 to vector<16xi32>
      %rem3A_959 = arith.remsi %add3A_957, %rem3A_958 : vector<16xi32>
      %add3A_960 = arith.addi %mul3A_955, %rem3A_959 : vector<16xi32>
      %swap3A = arith.index_cast %mul3A_950 : i32 to index
      %swap3A_961 = tpu.vector_load %arg8[%swap3A] {strides = array<i32>} : memref<6400xi32, #tpu.memory_space<vmem>>, vector<16xi32>,
      %swap3A_962 = vector.shape_cast %swap3A_961 : vector<16xi32> to vector<16xi32>
      %swap3A_963 = vector.shape_cast %add3A_960 : vector<16xi32> to vector<16xi32>
      tpu.vector_store %arg8[%swap3A], %swap3A_963 {strides = array<i32>} : memref<6400xi32, #tpu.memory_space<vmem>>, vector<16xi32>,
    }
    %scan3A_773 = arith.constant 400 : i32
    %scan3A_774 = arith.constant 0 : i32
    %scan3A_775 = arith.constant 0 : i32
    %scan3A_776 = arith.constant 32 : i32
    %scan3A_777 = arith.addi %scan3A_775, %scan3A_776 : i32
    %scan3A_778 = arith.constant 1 : i32
    scf.for %scan3A_948 = %scan3A_775 to %scan3A_777 step %scan3A_778  : i32 {
      %add3A_949 = arith.addi %mul3A_2, %scan3A_948 : i32
      %rem3A = arith.constant 4 : i32
      %rem3A_950 = arith.remsi %scan3A_948, %rem3A : i32
      %mul3A_951 = arith.constant 200 : i32
      %mul3A_952 = arith.muli %scan3A_948, %mul3A_951 : i32
      %mul3A_953 = arith.constant 200 : i32
      %mul3A_954 = arith.muli %scan3A_948, %mul3A_953 : i32
      %add3A_955 = arith.constant 128 : i32
      %add3A_956 = arith.addi %mul3A_954, %add3A_955 : i32
      %ge3A = arith.constant 4 : i32
      %ge3A_957 = arith.cmpi sge, %scan3A_948, %ge3A : i32
      %convert_element_type3A = arith.extui %ge3A_957 : i1 to i32
      %cond3A = arith.constant 0 : i32
      %cond3A_958 = arith.cmpi ne, %convert_element_type3A, %cond3A : i32
      scf.if %cond3A_958 {
        %sub3A = arith.constant 4 : i32
        %sub3A_1083 = arith.subi %add3A_949, %sub3A : i32
        %dma_wait3A_1084 = arith.constant 0 : i32
        %dma_wait3A_1085 = arith.constant 0 : i32
        %dma_wait3A_1086 = tpu.memref_slice %arg9[%rem3A_950, %dma_wait3A_1084, %dma_wait3A_1085] : memref<4x128x64xf32, #tpu.memory_space<vmem>> -> memref<1x128x64xf32, #tpu.memory_space<vmem>>
        %dma_wait3A_1087 = tpu.memref_squeeze %dma_wait3A_1086 : memref<1x128x64xf32, #tpu.memory_space<vmem>> -> memref<128x64xf32, #tpu.memory_space<vmem>>
        %dma_wait3A_1088 = arith.constant 0 : i32
        %dma_wait3A_1089 = arith.constant 0 : i32
        %dma_wait3A_1090 = tpu.memref_slice %arg6[%sub3A_1083, %dma_wait3A_1088, %dma_wait3A_1089] : memref<1024x200x128xf32, #tpu.memory_space<hbm>> -> memref<1x128x64xf32, #tpu.memory_space<hbm>>
        %dma_wait3A_1091 = tpu.memref_squeeze %dma_wait3A_1090 : memref<1x128x64xf32, #tpu.memory_space<hbm>> -> memref<128x64xf32, #tpu.memory_space<hbm>>
        %dma_wait3A_1092 = tpu.memref_slice %arg15[%rem3A_950] : memref<4x!tpu.dma_semaphore, #tpu.memory_space<semaphore_mem>> -> memref<1x!tpu.dma_semaphore, #tpu.memory_space<semaphore_mem>>
        %dma_wait3A_1093 = tpu.memref_squeeze %dma_wait3A_1092 : memref<1x!tpu.dma_semaphore, #tpu.memory_space<semaphore_mem>> -> memref<!tpu.dma_semaphore, #tpu.memory_space<semaphore_mem>>
        %dma_wait3A_1094 = arith.constant 0 : i32
        %dma_wait3A_1095 = arith.constant 0 : i32
        %dma_wait3A_1096 = tpu.memref_slice %arg6[%sub3A_1083, %dma_wait3A_1094, %dma_wait3A_1095] : memref<1024x200x128xf32, #tpu.memory_space<hbm>> -> memref<1x128x64xf32, #tpu.memory_space<hbm>>
        %dma_wait3A_1097 = tpu.memref_squeeze %dma_wait3A_1096 : memref<1x128x64xf32, #tpu.memory_space<hbm>> -> memref<128x64xf32, #tpu.memory_space<hbm>>
        %dma_wait3A_1098 = arith.constant 0 : i32
        %dma_wait3A_1099 = arith.constant 0 : i32
        %dma_wait3A_1100 = tpu.memref_slice %arg9[%rem3A_950, %dma_wait3A_1098, %dma_wait3A_1099] : memref<4x128x64xf32, #tpu.memory_space<vmem>> -> memref<1x128x64xf32, #tpu.memory_space<vmem>>
        %dma_wait3A_1101 = tpu.memref_squeeze %dma_wait3A_1100 : memref<1x128x64xf32, #tpu.memory_space<vmem>> -> memref<128x64xf32, #tpu.memory_space<vmem>>
        tpu.wait_dma2 semaphore(%dma_wait3A_1093 : memref<!tpu.dma_semaphore, #tpu.memory_space<semaphore_mem>>) src(%dma_wait3A_1101 : memref<128x64xf32, #tpu.memory_space<vmem>>) dst(%dma_wait3A_1097 : memref<128x64xf32, #tpu.memory_space<hbm>>)
        %dma_wait3A_1102 = arith.constant 0 : i32
        %dma_wait3A_1103 = arith.constant 0 : i32
        %dma_wait3A_1104 = tpu.memref_slice %arg10[%rem3A_950, %dma_wait3A_1102, %dma_wait3A_1103] : memref<4x72x64xf32, #tpu.memory_space<vmem>> -> memref<1x72x64xf32, #tpu.memory_space<vmem>>
        %dma_wait3A_1105 = tpu.memref_squeeze %dma_wait3A_1104 : memref<1x72x64xf32, #tpu.memory_space<vmem>> -> memref<72x64xf32, #tpu.memory_space<vmem>>
        %dma_wait3A_1106 = arith.constant 128 : i32
        %dma_wait3A_1107 = arith.constant 0 : i32
        %dma_wait3A_1108 = tpu.memref_slice %arg6[%sub3A_1083, %dma_wait3A_1106, %dma_wait3A_1107] : memref<1024x200x128xf32, #tpu.memory_space<hbm>> -> memref<1x72x64xf32, #tpu.memory_space<hbm>>
        %dma_wait3A_1109 = tpu.memref_squeeze %dma_wait3A_1108 : memref<1x72x64xf32, #tpu.memory_space<hbm>> -> memref<72x64xf32, #tpu.memory_space<hbm>>
        %dma_wait3A_1110 = tpu.memref_slice %arg16[%rem3A_950] : memref<4x!tpu.dma_semaphore, #tpu.memory_space<semaphore_mem>> -> memref<1x!tpu.dma_semaphore, #tpu.memory_space<semaphore_mem>>
        %dma_wait3A_1111 = tpu.memref_squeeze %dma_wait3A_1110 : memref<1x!tpu.dma_semaphore, #tpu.memory_space<semaphore_mem>> -> memref<!tpu.dma_semaphore, #tpu.memory_space<semaphore_mem>>
        %dma_wait3A_1112 = arith.constant 128 : i32
        %dma_wait3A_1113 = arith.constant 0 : i32
        %dma_wait3A_1114 = tpu.memref_slice %arg6[%sub3A_1083, %dma_wait3A_1112, %dma_wait3A_1113] : memref<1024x200x128xf32, #tpu.memory_space<hbm>> -> memref<1x72x64xf32, #tpu.memory_space<hbm>>
        %dma_wait3A_1115 = tpu.memref_squeeze %dma_wait3A_1114 : memref<1x72x64xf32, #tpu.memory_space<hbm>> -> memref<72x64xf32, #tpu.memory_space<hbm>>
        %dma_wait3A_1116 = arith.constant 0 : i32
        %dma_wait3A_1117 = arith.constant 0 : i32
        %dma_wait3A_1118 = tpu.memref_slice %arg10[%rem3A_950, %dma_wait3A_1116, %dma_wait3A_1117] : memref<4x72x64xf32, #tpu.memory_space<vmem>> -> memref<1x72x64xf32, #tpu.memory_space<vmem>>
        %dma_wait3A_1119 = tpu.memref_squeeze %dma_wait3A_1118 : memref<1x72x64xf32, #tpu.memory_space<vmem>> -> memref<72x64xf32, #tpu.memory_space<vmem>>
        tpu.wait_dma2 semaphore(%dma_wait3A_1111 : memref<!tpu.dma_semaphore, #tpu.memory_space<semaphore_mem>>) src(%dma_wait3A_1119 : memref<72x64xf32, #tpu.memory_space<vmem>>) dst(%dma_wait3A_1115 : memref<72x64xf32, #tpu.memory_space<hbm>>)
      } else {
      }
      %dma_start3A_959 = arith.constant 0 : i32
      %dma_start3A_960 = arith.constant 0 : i32
      %dma_start3A_961 = tpu.memref_slice %arg9[%rem3A_950, %dma_start3A_959, %dma_start3A_960] : memref<4x128x64xf32, #tpu.memory_space<vmem>> -> memref<1x128x64xf32, #tpu.memory_space<vmem>>
      %dma_start3A_962 = tpu.memref_squeeze %dma_start3A_961 : memref<1x128x64xf32, #tpu.memory_space<vmem>> -> memref<128x64xf32, #tpu.memory_space<vmem>>
      %dma_start3A_963 = arith.constant 0 : i32
      %dma_start3A_964 = tpu.memref_slice %arg7[%scan3A_948, %dma_start3A_963] : memref<32x200xi32, #tpu.memory_space<vmem>> -> memref<1x128xi32, #tpu.memory_space<vmem>>
      %dma_start3A_965 = tpu.memref_squeeze %dma_start3A_964 : memref<1x128xi32, #tpu.memory_space<vmem>> -> memref<128xi32, #tpu.memory_space<vmem>>
      %dma_start3A_966 = arith.constant 0 : i32
      %dma_start3A_967 = arith.constant 0 : i32
      %dma_start3A_968 = tpu.memref_slice %arg4[%dma_start3A_966, %dma_start3A_967] : memref<1000000x64xf32, #tpu.memory_space<hbm>> -> memref<1000000x64xf32, #tpu.memory_space<hbm>>
      %dma_start3A_969 = tpu.memref_slice %arg11[%rem3A_950] : memref<4x!tpu.dma_semaphore, #tpu.memory_space<semaphore_mem>> -> memref<1x!tpu.dma_semaphore, #tpu.memory_space<semaphore_mem>>
      %dma_start3A_970 = tpu.memref_squeeze %dma_start3A_969 : memref<1x!tpu.dma_semaphore, #tpu.memory_space<semaphore_mem>> -> memref<!tpu.dma_semaphore, #tpu.memory_space<semaphore_mem>>
      tpu.enqueue_indirect_dma source(%dma_start3A_968 : memref<1000000x64xf32, #tpu.memory_space<hbm>>) target(%dma_start3A_962 : memref<128x64xf32, #tpu.memory_space<vmem>>) offsets(%dma_start3A_965 : memref<128xi32, #tpu.memory_space<vmem>>) semaphore(%dma_start3A_970 : memref<!tpu.dma_semaphore, #tpu.memory_space<semaphore_mem>>)
      %dma_start3A_971 = arith.constant 0 : i32
      %dma_start3A_972 = arith.constant 0 : i32
      %dma_start3A_973 = tpu.memref_slice %arg10[%rem3A_950, %dma_start3A_971, %dma_start3A_972] : memref<4x72x64xf32, #tpu.memory_space<vmem>> -> memref<1x72x64xf32, #tpu.memory_space<vmem>>
      %dma_start3A_974 = tpu.memref_squeeze %dma_start3A_973 : memref<1x72x64xf32, #tpu.memory_space<vmem>> -> memref<72x64xf32, #tpu.memory_space<vmem>>
      %dma_start3A_975 = arith.constant 128 : i32
      %dma_start3A_976 = tpu.memref_slice %arg7[%scan3A_948, %dma_start3A_975] : memref<32x200xi32, #tpu.memory_space<vmem>> -> memref<1x72xi32, #tpu.memory_space<vmem>>
      %dma_start3A_977 = tpu.memref_squeeze %dma_start3A_976 : memref<1x72xi32, #tpu.memory_space<vmem>> -> memref<72xi32, #tpu.memory_space<vmem>>
      %dma_start3A_978 = arith.constant 0 : i32
      %dma_start3A_979 = arith.constant 0 : i32
      %dma_start3A_980 = tpu.memref_slice %arg4[%dma_start3A_978, %dma_start3A_979] : memref<1000000x64xf32, #tpu.memory_space<hbm>> -> memref<1000000x64xf32, #tpu.memory_space<hbm>>
      %dma_start3A_981 = tpu.memref_slice %arg12[%rem3A_950] : memref<4x!tpu.dma_semaphore, #tpu.memory_space<semaphore_mem>> -> memref<1x!tpu.dma_semaphore, #tpu.memory_space<semaphore_mem>>
      %dma_start3A_982 = tpu.memref_squeeze %dma_start3A_981 : memref<1x!tpu.dma_semaphore, #tpu.memory_space<semaphore_mem>> -> memref<!tpu.dma_semaphore, #tpu.memory_space<semaphore_mem>>
      tpu.enqueue_indirect_dma source(%dma_start3A_980 : memref<1000000x64xf32, #tpu.memory_space<hbm>>) target(%dma_start3A_974 : memref<72x64xf32, #tpu.memory_space<vmem>>) offsets(%dma_start3A_977 : memref<72xi32, #tpu.memory_space<vmem>>) semaphore(%dma_start3A_982 : memref<!tpu.dma_semaphore, #tpu.memory_space<semaphore_mem>>)
      %dma_wait3A_983 = arith.constant 0 : i32
      %dma_wait3A_984 = arith.constant 0 : i32
      %dma_wait3A_985 = tpu.memref_slice %arg9[%rem3A_950, %dma_wait3A_983, %dma_wait3A_984] : memref<4x128x64xf32, #tpu.memory_space<vmem>> -> memref<1x128x64xf32, #tpu.memory_space<vmem>>
      %dma_wait3A_986 = tpu.memref_squeeze %dma_wait3A_985 : memref<1x128x64xf32, #tpu.memory_space<vmem>> -> memref<128x64xf32, #tpu.memory_space<vmem>>
      %dma_wait3A_987 = arith.constant 0 : i32
      %dma_wait3A_988 = tpu.memref_slice %arg7[%scan3A_948, %dma_wait3A_987] : memref<32x200xi32, #tpu.memory_space<vmem>> -> memref<1x128xi32, #tpu.memory_space<vmem>>
      %dma_wait3A_989 = tpu.memref_squeeze %dma_wait3A_988 : memref<1x128xi32, #tpu.memory_space<vmem>> -> memref<128xi32, #tpu.memory_space<vmem>>
      %dma_wait3A_990 = arith.constant 0 : i32
      %dma_wait3A_991 = arith.constant 0 : i32
      %dma_wait3A_992 = tpu.memref_slice %arg4[%dma_wait3A_990, %dma_wait3A_991] : memref<1000000x64xf32, #tpu.memory_space<hbm>> -> memref<1000000x64xf32, #tpu.memory_space<hbm>>
      %dma_wait3A_993 = tpu.memref_slice %arg11[%rem3A_950] : memref<4x!tpu.dma_semaphore, #tpu.memory_space<semaphore_mem>> -> memref<1x!tpu.dma_semaphore, #tpu.memory_space<semaphore_mem>>
      %dma_wait3A_994 = tpu.memref_squeeze %dma_wait3A_993 : memref<1x!tpu.dma_semaphore, #tpu.memory_space<semaphore_mem>> -> memref<!tpu.dma_semaphore, #tpu.memory_space<semaphore_mem>>
      tpu.wait_indirect_dma semaphore(%dma_wait3A_994 : memref<!tpu.dma_semaphore, #tpu.memory_space<semaphore_mem>>) src(%dma_wait3A_992 : memref<1000000x64xf32, #tpu.memory_space<hbm>>) dst(%dma_wait3A_986 : memref<128x64xf32, #tpu.memory_space<vmem>>)
      %dma_start3A_995 = arith.constant 0 : i32
      %dma_start3A_996 = arith.constant 0 : i32
      %dma_start3A_997 = tpu.memref_slice %arg9[%rem3A_950, %dma_start3A_995, %dma_start3A_996] : memref<4x128x64xf32, #tpu.memory_space<vmem>> -> memref<1x128x64xf32, #tpu.memory_space<vmem>>
      %dma_start3A_998 = tpu.memref_squeeze %dma_start3A_997 : memref<1x128x64xf32, #tpu.memory_space<vmem>> -> memref<128x64xf32, #tpu.memory_space<vmem>>
      %dma_start3A_999 = tpu.memref_slice %arg8[%mul3A_952] : memref<6400xi32, #tpu.memory_space<vmem>> -> memref<128xi32, #tpu.memory_space<vmem>>
      %dma_start3A_1000 = arith.constant 0 : i32
      %dma_start3A_1001 = arith.constant 0 : i32
      %dma_start3A_1002 = tpu.memref_slice %arg5[%dma_start3A_1000, %dma_start3A_1001] : memref<600x64xf32, #tpu.memory_space<hbm>> -> memref<600x64xf32, #tpu.memory_space<hbm>>
      %dma_start3A_1003 = tpu.memref_slice %arg13[%rem3A_950] : memref<4x!tpu.dma_semaphore, #tpu.memory_space<semaphore_mem>> -> memref<1x!tpu.dma_semaphore, #tpu.memory_space<semaphore_mem>>
      %dma_start3A_1004 = tpu.memref_squeeze %dma_start3A_1003 : memref<1x!tpu.dma_semaphore, #tpu.memory_space<semaphore_mem>> -> memref<!tpu.dma_semaphore, #tpu.memory_space<semaphore_mem>>
      tpu.enqueue_indirect_dma source(%dma_start3A_1002 : memref<600x64xf32, #tpu.memory_space<hbm>>) target(%dma_start3A_998 : memref<128x64xf32, #tpu.memory_space<vmem>>) offsets(%dma_start3A_999 : memref<128xi32, #tpu.memory_space<vmem>>) semaphore(%dma_start3A_1004 : memref<!tpu.dma_semaphore, #tpu.memory_space<semaphore_mem>>) {add = true}
      %dma_wait3A_1005 = arith.constant 0 : i32
      %dma_wait3A_1006 = arith.constant 0 : i32
      %dma_wait3A_1007 = tpu.memref_slice %arg10[%rem3A_950, %dma_wait3A_1005, %dma_wait3A_1006] : memref<4x72x64xf32, #tpu.memory_space<vmem>> -> memref<1x72x64xf32, #tpu.memory_space<vmem>>
      %dma_wait3A_1008 = tpu.memref_squeeze %dma_wait3A_1007 : memref<1x72x64xf32, #tpu.memory_space<vmem>> -> memref<72x64xf32, #tpu.memory_space<vmem>>
      %dma_wait3A_1009 = arith.constant 128 : i32
      %dma_wait3A_1010 = tpu.memref_slice %arg7[%scan3A_948, %dma_wait3A_1009] : memref<32x200xi32, #tpu.memory_space<vmem>> -> memref<1x72xi32, #tpu.memory_space<vmem>>
      %dma_wait3A_1011 = tpu.memref_squeeze %dma_wait3A_1010 : memref<1x72xi32, #tpu.memory_space<vmem>> -> memref<72xi32, #tpu.memory_space<vmem>>
      %dma_wait3A_1012 = arith.constant 0 : i32
      %dma_wait3A_1013 = arith.constant 0 : i32
      %dma_wait3A_1014 = tpu.memref_slice %arg4[%dma_wait3A_1012, %dma_wait3A_1013] : memref<1000000x64xf32, #tpu.memory_space<hbm>> -> memref<1000000x64xf32, #tpu.memory_space<hbm>>
      %dma_wait3A_1015 = tpu.memref_slice %arg12[%rem3A_950] : memref<4x!tpu.dma_semaphore, #tpu.memory_space<semaphore_mem>> -> memref<1x!tpu.dma_semaphore, #tpu.memory_space<semaphore_mem>>
      %dma_wait3A_1016 = tpu.memref_squeeze %dma_wait3A_1015 : memref<1x!tpu.dma_semaphore, #tpu.memory_space<semaphore_mem>> -> memref<!tpu.dma_semaphore, #tpu.memory_space<semaphore_mem>>
      tpu.wait_indirect_dma semaphore(%dma_wait3A_1016 : memref<!tpu.dma_semaphore, #tpu.memory_space<semaphore_mem>>) src(%dma_wait3A_1014 : memref<1000000x64xf32, #tpu.memory_space<hbm>>) dst(%dma_wait3A_1008 : memref<72x64xf32, #tpu.memory_space<vmem>>)
      %dma_start3A_1017 = arith.constant 0 : i32
      %dma_start3A_1018 = arith.constant 0 : i32
      %dma_start3A_1019 = tpu.memref_slice %arg10[%rem3A_950, %dma_start3A_1017, %dma_start3A_1018] : memref<4x72x64xf32, #tpu.memory_space<vmem>> -> memref<1x72x64xf32, #tpu.memory_space<vmem>>
      %dma_start3A_1020 = tpu.memref_squeeze %dma_start3A_1019 : memref<1x72x64xf32, #tpu.memory_space<vmem>> -> memref<72x64xf32, #tpu.memory_space<vmem>>
      %dma_start3A_1021 = tpu.memref_slice %arg8[%add3A_956] : memref<6400xi32, #tpu.memory_space<vmem>> -> memref<72xi32, #tpu.memory_space<vmem>>
      %dma_start3A_1022 = arith.constant 0 : i32
      %dma_start3A_1023 = arith.constant 0 : i32
      %dma_start3A_1024 = tpu.memref_slice %arg5[%dma_start3A_1022, %dma_start3A_1023] : memref<600x64xf32, #tpu.memory_space<hbm>> -> memref<600x64xf32, #tpu.memory_space<hbm>>
      %dma_start3A_1025 = tpu.memref_slice %arg14[%rem3A_950] : memref<4x!tpu.dma_semaphore, #tpu.memory_space<semaphore_mem>> -> memref<1x!tpu.dma_semaphore, #tpu.memory_space<semaphore_mem>>
      %dma_start3A_1026 = tpu.memref_squeeze %dma_start3A_1025 : memref<1x!tpu.dma_semaphore, #tpu.memory_space<semaphore_mem>> -> memref<!tpu.dma_semaphore, #tpu.memory_space<semaphore_mem>>
      tpu.enqueue_indirect_dma source(%dma_start3A_1024 : memref<600x64xf32, #tpu.memory_space<hbm>>) target(%dma_start3A_1020 : memref<72x64xf32, #tpu.memory_space<vmem>>) offsets(%dma_start3A_1021 : memref<72xi32, #tpu.memory_space<vmem>>) semaphore(%dma_start3A_1026 : memref<!tpu.dma_semaphore, #tpu.memory_space<semaphore_mem>>) {add = true}
      %dma_wait3A_1027 = arith.constant 0 : i32
      %dma_wait3A_1028 = arith.constant 0 : i32
      %dma_wait3A_1029 = tpu.memref_slice %arg9[%rem3A_950, %dma_wait3A_1027, %dma_wait3A_1028] : memref<4x128x64xf32, #tpu.memory_space<vmem>> -> memref<1x128x64xf32, #tpu.memory_space<vmem>>
      %dma_wait3A_1030 = tpu.memref_squeeze %dma_wait3A_1029 : memref<1x128x64xf32, #tpu.memory_space<vmem>> -> memref<128x64xf32, #tpu.memory_space<vmem>>
      %dma_wait3A_1031 = tpu.memref_slice %arg8[%mul3A_952] : memref<6400xi32, #tpu.memory_space<vmem>> -> memref<128xi32, #tpu.memory_space<vmem>>
      %dma_wait3A_1032 = arith.constant 0 : i32
      %dma_wait3A_1033 = arith.constant 0 : i32
      %dma_wait3A_1034 = tpu.memref_slice %arg5[%dma_wait3A_1032, %dma_wait3A_1033] : memref<600x64xf32, #tpu.memory_space<hbm>> -> memref<600x64xf32, #tpu.memory_space<hbm>>
      %dma_wait3A_1035 = tpu.memref_slice %arg13[%rem3A_950] : memref<4x!tpu.dma_semaphore, #tpu.memory_space<semaphore_mem>> -> memref<1x!tpu.dma_semaphore, #tpu.memory_space<semaphore_mem>>
      %dma_wait3A_1036 = tpu.memref_squeeze %dma_wait3A_1035 : memref<1x!tpu.dma_semaphore, #tpu.memory_space<semaphore_mem>> -> memref<!tpu.dma_semaphore, #tpu.memory_space<semaphore_mem>>
      tpu.wait_indirect_dma semaphore(%dma_wait3A_1036 : memref<!tpu.dma_semaphore, #tpu.memory_space<semaphore_mem>>) src(%dma_wait3A_1034 : memref<600x64xf32, #tpu.memory_space<hbm>>) dst(%dma_wait3A_1030 : memref<128x64xf32, #tpu.memory_space<vmem>>)
      %dma_start3A_1037 = arith.constant 0 : i32
      %dma_start3A_1038 = arith.constant 0 : i32
      %dma_start3A_1039 = tpu.memref_slice %arg9[%rem3A_950, %dma_start3A_1037, %dma_start3A_1038] : memref<4x128x64xf32, #tpu.memory_space<vmem>> -> memref<1x128x64xf32, #tpu.memory_space<vmem>>
      %dma_start3A_1040 = tpu.memref_squeeze %dma_start3A_1039 : memref<1x128x64xf32, #tpu.memory_space<vmem>> -> memref<128x64xf32, #tpu.memory_space<vmem>>
      %dma_start3A_1041 = arith.constant 0 : i32
      %dma_start3A_1042 = arith.constant 0 : i32
      %dma_start3A_1043 = tpu.memref_slice %arg6[%add3A_949, %dma_start3A_1041, %dma_start3A_1042] : memref<1024x200x128xf32, #tpu.memory_space<hbm>> -> memref<1x128x64xf32, #tpu.memory_space<hbm>>
      %dma_start3A_1044 = tpu.memref_squeeze %dma_start3A_1043 : memref<1x128x64xf32, #tpu.memory_space<hbm>> -> memref<128x64xf32, #tpu.memory_space<hbm>>
      %dma_start3A_1045 = tpu.memref_slice %arg15[%rem3A_950] : memref<4x!tpu.dma_semaphore, #tpu.memory_space<semaphore_mem>> -> memref<1x!tpu.dma_semaphore, #tpu.memory_space<semaphore_mem>>
      %dma_start3A_1046 = tpu.memref_squeeze %dma_start3A_1045 : memref<1x!tpu.dma_semaphore, #tpu.memory_space<semaphore_mem>> -> memref<!tpu.dma_semaphore, #tpu.memory_space<semaphore_mem>>
      %dma_start3A_1047 = arith.constant 0 : i32
      %dma_start3A_1048 = arith.constant 0 : i32
      %dma_start3A_1049 = tpu.memref_slice %arg6[%add3A_949, %dma_start3A_1047, %dma_start3A_1048] : memref<1024x200x128xf32, #tpu.memory_space<hbm>> -> memref<1x128x64xf32, #tpu.memory_space<hbm>>
      %dma_start3A_1050 = tpu.memref_squeeze %dma_start3A_1049 : memref<1x128x64xf32, #tpu.memory_space<hbm>> -> memref<128x64xf32, #tpu.memory_space<hbm>>
      %dma_start3A_1051 = arith.constant 0 : i32
      %dma_start3A_1052 = arith.constant 0 : i32
      %dma_start3A_1053 = tpu.memref_slice %arg9[%rem3A_950, %dma_start3A_1051, %dma_start3A_1052] : memref<4x128x64xf32, #tpu.memory_space<vmem>> -> memref<1x128x64xf32, #tpu.memory_space<vmem>>
      %dma_start3A_1054 = tpu.memref_squeeze %dma_start3A_1053 : memref<1x128x64xf32, #tpu.memory_space<vmem>> -> memref<128x64xf32, #tpu.memory_space<vmem>>
      tpu.enqueue_dma source(%dma_start3A_1054 : memref<128x64xf32, #tpu.memory_space<vmem>>) target(%dma_start3A_1050 : memref<128x64xf32, #tpu.memory_space<hbm>>) target_semaphore(%dma_start3A_1046 : memref<!tpu.dma_semaphore, #tpu.memory_space<semaphore_mem>>)
      %dma_wait3A_1055 = arith.constant 0 : i32
      %dma_wait3A_1056 = arith.constant 0 : i32
      %dma_wait3A_1057 = tpu.memref_slice %arg10[%rem3A_950, %dma_wait3A_1055, %dma_wait3A_1056] : memref<4x72x64xf32, #tpu.memory_space<vmem>> -> memref<1x72x64xf32, #tpu.memory_space<vmem>>
      %dma_wait3A_1058 = tpu.memref_squeeze %dma_wait3A_1057 : memref<1x72x64xf32, #tpu.memory_space<vmem>> -> memref<72x64xf32, #tpu.memory_space<vmem>>
      %dma_wait3A_1059 = tpu.memref_slice %arg8[%add3A_956] : memref<6400xi32, #tpu.memory_space<vmem>> -> memref<72xi32, #tpu.memory_space<vmem>>
      %dma_wait3A_1060 = arith.constant 0 : i32
      %dma_wait3A_1061 = arith.constant 0 : i32
      %dma_wait3A_1062 = tpu.memref_slice %arg5[%dma_wait3A_1060, %dma_wait3A_1061] : memref<600x64xf32, #tpu.memory_space<hbm>> -> memref<600x64xf32, #tpu.memory_space<hbm>>
      %dma_wait3A_1063 = tpu.memref_slice %arg14[%rem3A_950] : memref<4x!tpu.dma_semaphore, #tpu.memory_space<semaphore_mem>> -> memref<1x!tpu.dma_semaphore, #tpu.memory_space<semaphore_mem>>
      %dma_wait3A_1064 = tpu.memref_squeeze %dma_wait3A_1063 : memref<1x!tpu.dma_semaphore, #tpu.memory_space<semaphore_mem>> -> memref<!tpu.dma_semaphore, #tpu.memory_space<semaphore_mem>>
      tpu.wait_indirect_dma semaphore(%dma_wait3A_1064 : memref<!tpu.dma_semaphore, #tpu.memory_space<semaphore_mem>>) src(%dma_wait3A_1062 : memref<600x64xf32, #tpu.memory_space<hbm>>) dst(%dma_wait3A_1058 : memref<72x64xf32, #tpu.memory_space<vmem>>)
      %dma_start3A_1065 = arith.constant 0 : i32
      %dma_start3A_1066 = arith.constant 0 : i32
      %dma_start3A_1067 = tpu.memref_slice %arg10[%rem3A_950, %dma_start3A_1065, %dma_start3A_1066] : memref<4x72x64xf32, #tpu.memory_space<vmem>> -> memref<1x72x64xf32, #tpu.memory_space<vmem>>
      %dma_start3A_1068 = tpu.memref_squeeze %dma_start3A_1067 : memref<1x72x64xf32, #tpu.memory_space<vmem>> -> memref<72x64xf32, #tpu.memory_space<vmem>>
      %dma_start3A_1069 = arith.constant 128 : i32
      %dma_start3A_1070 = arith.constant 0 : i32
      %dma_start3A_1071 = tpu.memref_slice %arg6[%add3A_949, %dma_start3A_1069, %dma_start3A_1070] : memref<1024x200x128xf32, #tpu.memory_space<hbm>> -> memref<1x72x64xf32, #tpu.memory_space<hbm>>
      %dma_start3A_1072 = tpu.memref_squeeze %dma_start3A_1071 : memref<1x72x64xf32, #tpu.memory_space<hbm>> -> memref<72x64xf32, #tpu.memory_space<hbm>>
      %dma_start3A_1073 = tpu.memref_slice %arg16[%rem3A_950] : memref<4x!tpu.dma_semaphore, #tpu.memory_space<semaphore_mem>> -> memref<1x!tpu.dma_semaphore, #tpu.memory_space<semaphore_mem>>
      %dma_start3A_1074 = tpu.memref_squeeze %dma_start3A_1073 : memref<1x!tpu.dma_semaphore, #tpu.memory_space<semaphore_mem>> -> memref<!tpu.dma_semaphore, #tpu.memory_space<semaphore_mem>>
      %dma_start3A_1075 = arith.constant 128 : i32
      %dma_start3A_1076 = arith.constant 0 : i32
      %dma_start3A_1077 = tpu.memref_slice %arg6[%add3A_949, %dma_start3A_1075, %dma_start3A_1076] : memref<1024x200x128xf32, #tpu.memory_space<hbm>> -> memref<1x72x64xf32, #tpu.memory_space<hbm>>
      %dma_start3A_1078 = tpu.memref_squeeze %dma_start3A_1077 : memref<1x72x64xf32, #tpu.memory_space<hbm>> -> memref<72x64xf32, #tpu.memory_space<hbm>>
      %dma_start3A_1079 = arith.constant 0 : i32
      %dma_start3A_1080 = arith.constant 0 : i32
      %dma_start3A_1081 = tpu.memref_slice %arg10[%rem3A_950, %dma_start3A_1079, %dma_start3A_1080] : memref<4x72x64xf32, #tpu.memory_space<vmem>> -> memref<1x72x64xf32, #tpu.memory_space<vmem>>
      %dma_start3A_1082 = tpu.memref_squeeze %dma_start3A_1081 : memref<1x72x64xf32, #tpu.memory_space<vmem>> -> memref<72x64xf32, #tpu.memory_space<vmem>>
      tpu.enqueue_dma source(%dma_start3A_1082 : memref<72x64xf32, #tpu.memory_space<vmem>>) target(%dma_start3A_1078 : memref<72x64xf32, #tpu.memory_space<hbm>>) target_semaphore(%dma_start3A_1074 : memref<!tpu.dma_semaphore, #tpu.memory_space<semaphore_mem>>)
    }
    %scan3A_779 = arith.constant 32 : i32
    %add3A_780 = arith.constant 28 : i32
    %add3A_781 = arith.addi %mul3A_2, %add3A_780 : i32
    %dma_wait3A_782 = arith.constant 0 : i32
    %dma_wait3A_783 = arith.constant 0 : i32
    %dma_wait3A_784 = arith.constant 0 : i32
    %dma_wait3A_785 = arith.constant 0 : i32
    %dma_wait3A_786 = tpu.memref_slice %arg9[%dma_wait3A_782, %dma_wait3A_784, %dma_wait3A_785] : memref<4x128x64xf32, #tpu.memory_space<vmem>> -> memref<1x128x64xf32, #tpu.memory_space<vmem>>
    %dma_wait3A_787 = tpu.memref_squeeze %dma_wait3A_786 : memref<1x128x64xf32, #tpu.memory_space<vmem>> -> memref<128x64xf32, #tpu.memory_space<vmem>>
    %dma_wait3A_788 = arith.constant 0 : i32
    %dma_wait3A_789 = arith.constant 0 : i32
    %dma_wait3A_790 = tpu.memref_slice %arg6[%add3A_781, %dma_wait3A_788, %dma_wait3A_789] : memref<1024x200x128xf32, #tpu.memory_space<hbm>> -> memref<1x128x64xf32, #tpu.memory_space<hbm>>
    %dma_wait3A_791 = tpu.memref_squeeze %dma_wait3A_790 : memref<1x128x64xf32, #tpu.memory_space<hbm>> -> memref<128x64xf32, #tpu.memory_space<hbm>>
    %dma_wait3A_792 = tpu.memref_slice %arg15[%dma_wait3A_783] : memref<4x!tpu.dma_semaphore, #tpu.memory_space<semaphore_mem>> -> memref<1x!tpu.dma_semaphore, #tpu.memory_space<semaphore_mem>>
    %dma_wait3A_793 = tpu.memref_squeeze %dma_wait3A_792 : memref<1x!tpu.dma_semaphore, #tpu.memory_space<semaphore_mem>> -> memref<!tpu.dma_semaphore, #tpu.memory_space<semaphore_mem>>
    %dma_wait3A_794 = arith.constant 0 : i32
    %dma_wait3A_795 = arith.constant 0 : i32
    %dma_wait3A_796 = tpu.memref_slice %arg6[%add3A_781, %dma_wait3A_794, %dma_wait3A_795] : memref<1024x200x128xf32, #tpu.memory_space<hbm>> -> memref<1x128x64xf32, #tpu.memory_space<hbm>>
    %dma_wait3A_797 = tpu.memref_squeeze %dma_wait3A_796 : memref<1x128x64xf32, #tpu.memory_space<hbm>> -> memref<128x64xf32, #tpu.memory_space<hbm>>
    %dma_wait3A_798 = arith.constant 0 : i32
    %dma_wait3A_799 = arith.constant 0 : i32
    %dma_wait3A_800 = tpu.memref_slice %arg9[%dma_wait3A_782, %dma_wait3A_798, %dma_wait3A_799] : memref<4x128x64xf32, #tpu.memory_space<vmem>> -> memref<1x128x64xf32, #tpu.memory_space<vmem>>
    %dma_wait3A_801 = tpu.memref_squeeze %dma_wait3A_800 : memref<1x128x64xf32, #tpu.memory_space<vmem>> -> memref<128x64xf32, #tpu.memory_space<vmem>>
    tpu.wait_dma2 semaphore(%dma_wait3A_793 : memref<!tpu.dma_semaphore, #tpu.memory_space<semaphore_mem>>) src(%dma_wait3A_801 : memref<128x64xf32, #tpu.memory_space<vmem>>) dst(%dma_wait3A_797 : memref<128x64xf32, #tpu.memory_space<hbm>>)
    %dma_wait3A_802 = arith.constant 0 : i32
    %dma_wait3A_803 = arith.constant 0 : i32
    %dma_wait3A_804 = arith.constant 0 : i32
    %dma_wait3A_805 = arith.constant 0 : i32
    %dma_wait3A_806 = tpu.memref_slice %arg10[%dma_wait3A_802, %dma_wait3A_804, %dma_wait3A_805] : memref<4x72x64xf32, #tpu.memory_space<vmem>> -> memref<1x72x64xf32, #tpu.memory_space<vmem>>
    %dma_wait3A_807 = tpu.memref_squeeze %dma_wait3A_806 : memref<1x72x64xf32, #tpu.memory_space<vmem>> -> memref<72x64xf32, #tpu.memory_space<vmem>>
    %dma_wait3A_808 = arith.constant 128 : i32
    %dma_wait3A_809 = arith.constant 0 : i32
    %dma_wait3A_810 = tpu.memref_slice %arg6[%add3A_781, %dma_wait3A_808, %dma_wait3A_809] : memref<1024x200x128xf32, #tpu.memory_space<hbm>> -> memref<1x72x64xf32, #tpu.memory_space<hbm>>
    %dma_wait3A_811 = tpu.memref_squeeze %dma_wait3A_810 : memref<1x72x64xf32, #tpu.memory_space<hbm>> -> memref<72x64xf32, #tpu.memory_space<hbm>>
    %dma_wait3A_812 = tpu.memref_slice %arg16[%dma_wait3A_803] : memref<4x!tpu.dma_semaphore, #tpu.memory_space<semaphore_mem>> -> memref<1x!tpu.dma_semaphore, #tpu.memory_space<semaphore_mem>>
    %dma_wait3A_813 = tpu.memref_squeeze %dma_wait3A_812 : memref<1x!tpu.dma_semaphore, #tpu.memory_space<semaphore_mem>> -> memref<!tpu.dma_semaphore, #tpu.memory_space<semaphore_mem>>
    %dma_wait3A_814 = arith.constant 128 : i32
    %dma_wait3A_815 = arith.constant 0 : i32
    %dma_wait3A_816 = tpu.memref_slice %arg6[%add3A_781, %dma_wait3A_814, %dma_wait3A_815] : memref<1024x200x128xf32, #tpu.memory_space<hbm>> -> memref<1x72x64xf32, #tpu.memory_space<hbm>>
    %dma_wait3A_817 = tpu.memref_squeeze %dma_wait3A_816 : memref<1x72x64xf32, #tpu.memory_space<hbm>> -> memref<72x64xf32, #tpu.memory_space<hbm>>
    %dma_wait3A_818 = arith.constant 0 : i32
    %dma_wait3A_819 = arith.constant 0 : i32
    %dma_wait3A_820 = tpu.memref_slice %arg10[%dma_wait3A_802, %dma_wait3A_818, %dma_wait3A_819] : memref<4x72x64xf32, #tpu.memory_space<vmem>> -> memref<1x72x64xf32, #tpu.memory_space<vmem>>
    %dma_wait3A_821 = tpu.memref_squeeze %dma_wait3A_820 : memref<1x72x64xf32, #tpu.memory_space<vmem>> -> memref<72x64xf32, #tpu.memory_space<vmem>>
    tpu.wait_dma2 semaphore(%dma_wait3A_813 : memref<!tpu.dma_semaphore, #tpu.memory_space<semaphore_mem>>) src(%dma_wait3A_821 : memref<72x64xf32, #tpu.memory_space<vmem>>) dst(%dma_wait3A_817 : memref<72x64xf32, #tpu.memory_space<hbm>>)
    %add3A_822 = arith.constant 29 : i32
    %add3A_823 = arith.addi %mul3A_2, %add3A_822 : i32
    %dma_wait3A_824 = arith.constant 1 : i32
    %dma_wait3A_825 = arith.constant 1 : i32
    %dma_wait3A_826 = arith.constant 0 : i32
    %dma_wait3A_827 = arith.constant 0 : i32
    %dma_wait3A_828 = tpu.memref_slice %arg9[%dma_wait3A_824, %dma_wait3A_826, %dma_wait3A_827] : memref<4x128x64xf32, #tpu.memory_space<vmem>> -> memref<1x128x64xf32, #tpu.memory_space<vmem>>
    %dma_wait3A_829 = tpu.memref_squeeze %dma_wait3A_828 : memref<1x128x64xf32, #tpu.memory_space<vmem>> -> memref<128x64xf32, #tpu.memory_space<vmem>>
    %dma_wait3A_830 = arith.constant 0 : i32
    %dma_wait3A_831 = arith.constant 0 : i32
    %dma_wait3A_832 = tpu.memref_slice %arg6[%add3A_823, %dma_wait3A_830, %dma_wait3A_831] : memref<1024x200x128xf32, #tpu.memory_space<hbm>> -> memref<1x128x64xf32, #tpu.memory_space<hbm>>
    %dma_wait3A_833 = tpu.memref_squeeze %dma_wait3A_832 : memref<1x128x64xf32, #tpu.memory_space<hbm>> -> memref<128x64xf32, #tpu.memory_space<hbm>>
    %dma_wait3A_834 = tpu.memref_slice %arg15[%dma_wait3A_825] : memref<4x!tpu.dma_semaphore, #tpu.memory_space<semaphore_mem>> -> memref<1x!tpu.dma_semaphore, #tpu.memory_space<semaphore_mem>>
    %dma_wait3A_835 = tpu.memref_squeeze %dma_wait3A_834 : memref<1x!tpu.dma_semaphore, #tpu.memory_space<semaphore_mem>> -> memref<!tpu.dma_semaphore, #tpu.memory_space<semaphore_mem>>
    %dma_wait3A_836 = arith.constant 0 : i32
    %dma_wait3A_837 = arith.constant 0 : i32
    %dma_wait3A_838 = tpu.memref_slice %arg6[%add3A_823, %dma_wait3A_836, %dma_wait3A_837] : memref<1024x200x128xf32, #tpu.memory_space<hbm>> -> memref<1x128x64xf32, #tpu.memory_space<hbm>>
    %dma_wait3A_839 = tpu.memref_squeeze %dma_wait3A_838 : memref<1x128x64xf32, #tpu.memory_space<hbm>> -> memref<128x64xf32, #tpu.memory_space<hbm>>
    %dma_wait3A_840 = arith.constant 0 : i32
    %dma_wait3A_841 = arith.constant 0 : i32
    %dma_wait3A_842 = tpu.memref_slice %arg9[%dma_wait3A_824, %dma_wait3A_840, %dma_wait3A_841] : memref<4x128x64xf32, #tpu.memory_space<vmem>> -> memref<1x128x64xf32, #tpu.memory_space<vmem>>
    %dma_wait3A_843 = tpu.memref_squeeze %dma_wait3A_842 : memref<1x128x64xf32, #tpu.memory_space<vmem>> -> memref<128x64xf32, #tpu.memory_space<vmem>>
    tpu.wait_dma2 semaphore(%dma_wait3A_835 : memref<!tpu.dma_semaphore, #tpu.memory_space<semaphore_mem>>) src(%dma_wait3A_843 : memref<128x64xf32, #tpu.memory_space<vmem>>) dst(%dma_wait3A_839 : memref<128x64xf32, #tpu.memory_space<hbm>>)
    %dma_wait3A_844 = arith.constant 1 : i32
    %dma_wait3A_845 = arith.constant 1 : i32
    %dma_wait3A_846 = arith.constant 0 : i32
    %dma_wait3A_847 = arith.constant 0 : i32
    %dma_wait3A_848 = tpu.memref_slice %arg10[%dma_wait3A_844, %dma_wait3A_846, %dma_wait3A_847] : memref<4x72x64xf32, #tpu.memory_space<vmem>> -> memref<1x72x64xf32, #tpu.memory_space<vmem>>
    %dma_wait3A_849 = tpu.memref_squeeze %dma_wait3A_848 : memref<1x72x64xf32, #tpu.memory_space<vmem>> -> memref<72x64xf32, #tpu.memory_space<vmem>>
    %dma_wait3A_850 = arith.constant 128 : i32
    %dma_wait3A_851 = arith.constant 0 : i32
    %dma_wait3A_852 = tpu.memref_slice %arg6[%add3A_823, %dma_wait3A_850, %dma_wait3A_851] : memref<1024x200x128xf32, #tpu.memory_space<hbm>> -> memref<1x72x64xf32, #tpu.memory_space<hbm>>
    %dma_wait3A_853 = tpu.memref_squeeze %dma_wait3A_852 : memref<1x72x64xf32, #tpu.memory_space<hbm>> -> memref<72x64xf32, #tpu.memory_space<hbm>>
    %dma_wait3A_854 = tpu.memref_slice %arg16[%dma_wait3A_845] : memref<4x!tpu.dma_semaphore, #tpu.memory_space<semaphore_mem>> -> memref<1x!tpu.dma_semaphore, #tpu.memory_space<semaphore_mem>>
    %dma_wait3A_855 = tpu.memref_squeeze %dma_wait3A_854 : memref<1x!tpu.dma_semaphore, #tpu.memory_space<semaphore_mem>> -> memref<!tpu.dma_semaphore, #tpu.memory_space<semaphore_mem>>
    %dma_wait3A_856 = arith.constant 128 : i32
    %dma_wait3A_857 = arith.constant 0 : i32
    %dma_wait3A_858 = tpu.memref_slice %arg6[%add3A_823, %dma_wait3A_856, %dma_wait3A_857] : memref<1024x200x128xf32, #tpu.memory_space<hbm>> -> memref<1x72x64xf32, #tpu.memory_space<hbm>>
    %dma_wait3A_859 = tpu.memref_squeeze %dma_wait3A_858 : memref<1x72x64xf32, #tpu.memory_space<hbm>> -> memref<72x64xf32, #tpu.memory_space<hbm>>
    %dma_wait3A_860 = arith.constant 0 : i32
    %dma_wait3A_861 = arith.constant 0 : i32
    %dma_wait3A_862 = tpu.memref_slice %arg10[%dma_wait3A_844, %dma_wait3A_860, %dma_wait3A_861] : memref<4x72x64xf32, #tpu.memory_space<vmem>> -> memref<1x72x64xf32, #tpu.memory_space<vmem>>
    %dma_wait3A_863 = tpu.memref_squeeze %dma_wait3A_862 : memref<1x72x64xf32, #tpu.memory_space<vmem>> -> memref<72x64xf32, #tpu.memory_space<vmem>>
    tpu.wait_dma2 semaphore(%dma_wait3A_855 : memref<!tpu.dma_semaphore, #tpu.memory_space<semaphore_mem>>) src(%dma_wait3A_863 : memref<72x64xf32, #tpu.memory_space<vmem>>) dst(%dma_wait3A_859 : memref<72x64xf32, #tpu.memory_space<hbm>>)
    %add3A_864 = arith.constant 30 : i32
    %add3A_865 = arith.addi %mul3A_2, %add3A_864 : i32
    %dma_wait3A_866 = arith.constant 2 : i32
    %dma_wait3A_867 = arith.constant 2 : i32
    %dma_wait3A_868 = arith.constant 0 : i32
    %dma_wait3A_869 = arith.constant 0 : i32
    %dma_wait3A_870 = tpu.memref_slice %arg9[%dma_wait3A_866, %dma_wait3A_868, %dma_wait3A_869] : memref<4x128x64xf32, #tpu.memory_space<vmem>> -> memref<1x128x64xf32, #tpu.memory_space<vmem>>
    %dma_wait3A_871 = tpu.memref_squeeze %dma_wait3A_870 : memref<1x128x64xf32, #tpu.memory_space<vmem>> -> memref<128x64xf32, #tpu.memory_space<vmem>>
    %dma_wait3A_872 = arith.constant 0 : i32
    %dma_wait3A_873 = arith.constant 0 : i32
    %dma_wait3A_874 = tpu.memref_slice %arg6[%add3A_865, %dma_wait3A_872, %dma_wait3A_873] : memref<1024x200x128xf32, #tpu.memory_space<hbm>> -> memref<1x128x64xf32, #tpu.memory_space<hbm>>
    %dma_wait3A_875 = tpu.memref_squeeze %dma_wait3A_874 : memref<1x128x64xf32, #tpu.memory_space<hbm>> -> memref<128x64xf32, #tpu.memory_space<hbm>>
    %dma_wait3A_876 = tpu.memref_slice %arg15[%dma_wait3A_867] : memref<4x!tpu.dma_semaphore, #tpu.memory_space<semaphore_mem>> -> memref<1x!tpu.dma_semaphore, #tpu.memory_space<semaphore_mem>>
    %dma_wait3A_877 = tpu.memref_squeeze %dma_wait3A_876 : memref<1x!tpu.dma_semaphore, #tpu.memory_space<semaphore_mem>> -> memref<!tpu.dma_semaphore, #tpu.memory_space<semaphore_mem>>
    %dma_wait3A_878 = arith.constant 0 : i32
    %dma_wait3A_879 = arith.constant 0 : i32
    %dma_wait3A_880 = tpu.memref_slice %arg6[%add3A_865, %dma_wait3A_878, %dma_wait3A_879] : memref<1024x200x128xf32, #tpu.memory_space<hbm>> -> memref<1x128x64xf32, #tpu.memory_space<hbm>>
    %dma_wait3A_881 = tpu.memref_squeeze %dma_wait3A_880 : memref<1x128x64xf32, #tpu.memory_space<hbm>> -> memref<128x64xf32, #tpu.memory_space<hbm>>
    %dma_wait3A_882 = arith.constant 0 : i32
    %dma_wait3A_883 = arith.constant 0 : i32
    %dma_wait3A_884 = tpu.memref_slice %arg9[%dma_wait3A_866, %dma_wait3A_882, %dma_wait3A_883] : memref<4x128x64xf32, #tpu.memory_space<vmem>> -> memref<1x128x64xf32, #tpu.memory_space<vmem>>
    %dma_wait3A_885 = tpu.memref_squeeze %dma_wait3A_884 : memref<1x128x64xf32, #tpu.memory_space<vmem>> -> memref<128x64xf32, #tpu.memory_space<vmem>>
    tpu.wait_dma2 semaphore(%dma_wait3A_877 : memref<!tpu.dma_semaphore, #tpu.memory_space<semaphore_mem>>) src(%dma_wait3A_885 : memref<128x64xf32, #tpu.memory_space<vmem>>) dst(%dma_wait3A_881 : memref<128x64xf32, #tpu.memory_space<hbm>>)
    %dma_wait3A_886 = arith.constant 2 : i32
    %dma_wait3A_887 = arith.constant 2 : i32
    %dma_wait3A_888 = arith.constant 0 : i32
    %dma_wait3A_889 = arith.constant 0 : i32
    %dma_wait3A_890 = tpu.memref_slice %arg10[%dma_wait3A_886, %dma_wait3A_888, %dma_wait3A_889] : memref<4x72x64xf32, #tpu.memory_space<vmem>> -> memref<1x72x64xf32, #tpu.memory_space<vmem>>
    %dma_wait3A_891 = tpu.memref_squeeze %dma_wait3A_890 : memref<1x72x64xf32, #tpu.memory_space<vmem>> -> memref<72x64xf32, #tpu.memory_space<vmem>>
    %dma_wait3A_892 = arith.constant 128 : i32
    %dma_wait3A_893 = arith.constant 0 : i32
    %dma_wait3A_894 = tpu.memref_slice %arg6[%add3A_865, %dma_wait3A_892, %dma_wait3A_893] : memref<1024x200x128xf32, #tpu.memory_space<hbm>> -> memref<1x72x64xf32, #tpu.memory_space<hbm>>
    %dma_wait3A_895 = tpu.memref_squeeze %dma_wait3A_894 : memref<1x72x64xf32, #tpu.memory_space<hbm>> -> memref<72x64xf32, #tpu.memory_space<hbm>>
    %dma_wait3A_896 = tpu.memref_slice %arg16[%dma_wait3A_887] : memref<4x!tpu.dma_semaphore, #tpu.memory_space<semaphore_mem>> -> memref<1x!tpu.dma_semaphore, #tpu.memory_space<semaphore_mem>>
    %dma_wait3A_897 = tpu.memref_squeeze %dma_wait3A_896 : memref<1x!tpu.dma_semaphore, #tpu.memory_space<semaphore_mem>> -> memref<!tpu.dma_semaphore, #tpu.memory_space<semaphore_mem>>
    %dma_wait3A_898 = arith.constant 128 : i32
    %dma_wait3A_899 = arith.constant 0 : i32
    %dma_wait3A_900 = tpu.memref_slice %arg6[%add3A_865, %dma_wait3A_898, %dma_wait3A_899] : memref<1024x200x128xf32, #tpu.memory_space<hbm>> -> memref<1x72x64xf32, #tpu.memory_space<hbm>>
    %dma_wait3A_901 = tpu.memref_squeeze %dma_wait3A_900 : memref<1x72x64xf32, #tpu.memory_space<hbm>> -> memref<72x64xf32, #tpu.memory_space<hbm>>
    %dma_wait3A_902 = arith.constant 0 : i32
    %dma_wait3A_903 = arith.constant 0 : i32
    %dma_wait3A_904 = tpu.memref_slice %arg10[%dma_wait3A_886, %dma_wait3A_902, %dma_wait3A_903] : memref<4x72x64xf32, #tpu.memory_space<vmem>> -> memref<1x72x64xf32, #tpu.memory_space<vmem>>
    %dma_wait3A_905 = tpu.memref_squeeze %dma_wait3A_904 : memref<1x72x64xf32, #tpu.memory_space<vmem>> -> memref<72x64xf32, #tpu.memory_space<vmem>>
    tpu.wait_dma2 semaphore(%dma_wait3A_897 : memref<!tpu.dma_semaphore, #tpu.memory_space<semaphore_mem>>) src(%dma_wait3A_905 : memref<72x64xf32, #tpu.memory_space<vmem>>) dst(%dma_wait3A_901 : memref<72x64xf32, #tpu.memory_space<hbm>>)
    %add3A_906 = arith.constant 31 : i32
    %add3A_907 = arith.addi %mul3A_2, %add3A_906 : i32
    %dma_wait3A_908 = arith.constant 3 : i32
    %dma_wait3A_909 = arith.constant 3 : i32
    %dma_wait3A_910 = arith.constant 0 : i32
    %dma_wait3A_911 = arith.constant 0 : i32
    %dma_wait3A_912 = tpu.memref_slice %arg9[%dma_wait3A_908, %dma_wait3A_910, %dma_wait3A_911] : memref<4x128x64xf32, #tpu.memory_space<vmem>> -> memref<1x128x64xf32, #tpu.memory_space<vmem>>
    %dma_wait3A_913 = tpu.memref_squeeze %dma_wait3A_912 : memref<1x128x64xf32, #tpu.memory_space<vmem>> -> memref<128x64xf32, #tpu.memory_space<vmem>>
    %dma_wait3A_914 = arith.constant 0 : i32
    %dma_wait3A_915 = arith.constant 0 : i32
    %dma_wait3A_916 = tpu.memref_slice %arg6[%add3A_907, %dma_wait3A_914, %dma_wait3A_915] : memref<1024x200x128xf32, #tpu.memory_space<hbm>> -> memref<1x128x64xf32, #tpu.memory_space<hbm>>
    %dma_wait3A_917 = tpu.memref_squeeze %dma_wait3A_916 : memref<1x128x64xf32, #tpu.memory_space<hbm>> -> memref<128x64xf32, #tpu.memory_space<hbm>>
    %dma_wait3A_918 = tpu.memref_slice %arg15[%dma_wait3A_909] : memref<4x!tpu.dma_semaphore, #tpu.memory_space<semaphore_mem>> -> memref<1x!tpu.dma_semaphore, #tpu.memory_space<semaphore_mem>>
    %dma_wait3A_919 = tpu.memref_squeeze %dma_wait3A_918 : memref<1x!tpu.dma_semaphore, #tpu.memory_space<semaphore_mem>> -> memref<!tpu.dma_semaphore, #tpu.memory_space<semaphore_mem>>
    %dma_wait3A_920 = arith.constant 0 : i32
    %dma_wait3A_921 = arith.constant 0 : i32
    %dma_wait3A_922 = tpu.memref_slice %arg6[%add3A_907, %dma_wait3A_920, %dma_wait3A_921] : memref<1024x200x128xf32, #tpu.memory_space<hbm>> -> memref<1x128x64xf32, #tpu.memory_space<hbm>>
    %dma_wait3A_923 = tpu.memref_squeeze %dma_wait3A_922 : memref<1x128x64xf32, #tpu.memory_space<hbm>> -> memref<128x64xf32, #tpu.memory_space<hbm>>
    %dma_wait3A_924 = arith.constant 0 : i32
    %dma_wait3A_925 = arith.constant 0 : i32
    %dma_wait3A_926 = tpu.memref_slice %arg9[%dma_wait3A_908, %dma_wait3A_924, %dma_wait3A_925] : memref<4x128x64xf32, #tpu.memory_space<vmem>> -> memref<1x128x64xf32, #tpu.memory_space<vmem>>
    %dma_wait3A_927 = tpu.memref_squeeze %dma_wait3A_926 : memref<1x128x64xf32, #tpu.memory_space<vmem>> -> memref<128x64xf32, #tpu.memory_space<vmem>>
    tpu.wait_dma2 semaphore(%dma_wait3A_919 : memref<!tpu.dma_semaphore, #tpu.memory_space<semaphore_mem>>) src(%dma_wait3A_927 : memref<128x64xf32, #tpu.memory_space<vmem>>) dst(%dma_wait3A_923 : memref<128x64xf32, #tpu.memory_space<hbm>>)
    %dma_wait3A_928 = arith.constant 3 : i32
    %dma_wait3A_929 = arith.constant 3 : i32
    %dma_wait3A_930 = arith.constant 0 : i32
    %dma_wait3A_931 = arith.constant 0 : i32
    %dma_wait3A_932 = tpu.memref_slice %arg10[%dma_wait3A_928, %dma_wait3A_930, %dma_wait3A_931] : memref<4x72x64xf32, #tpu.memory_space<vmem>> -> memref<1x72x64xf32, #tpu.memory_space<vmem>>
    %dma_wait3A_933 = tpu.memref_squeeze %dma_wait3A_932 : memref<1x72x64xf32, #tpu.memory_space<vmem>> -> memref<72x64xf32, #tpu.memory_space<vmem>>
    %dma_wait3A_934 = arith.constant 128 : i32
    %dma_wait3A_935 = arith.constant 0 : i32
    %dma_wait3A_936 = tpu.memref_slice %arg6[%add3A_907, %dma_wait3A_934, %dma_wait3A_935] : memref<1024x200x128xf32, #tpu.memory_space<hbm>> -> memref<1x72x64xf32, #tpu.memory_space<hbm>>
    %dma_wait3A_937 = tpu.memref_squeeze %dma_wait3A_936 : memref<1x72x64xf32, #tpu.memory_space<hbm>> -> memref<72x64xf32, #tpu.memory_space<hbm>>
    %dma_wait3A_938 = tpu.memref_slice %arg16[%dma_wait3A_929] : memref<4x!tpu.dma_semaphore, #tpu.memory_space<semaphore_mem>> -> memref<1x!tpu.dma_semaphore, #tpu.memory_space<semaphore_mem>>
    %dma_wait3A_939 = tpu.memref_squeeze %dma_wait3A_938 : memref<1x!tpu.dma_semaphore, #tpu.memory_space<semaphore_mem>> -> memref<!tpu.dma_semaphore, #tpu.memory_space<semaphore_mem>>
    %dma_wait3A_940 = arith.constant 128 : i32
    %dma_wait3A_941 = arith.constant 0 : i32
    %dma_wait3A_942 = tpu.memref_slice %arg6[%add3A_907, %dma_wait3A_940, %dma_wait3A_941] : memref<1024x200x128xf32, #tpu.memory_space<hbm>> -> memref<1x72x64xf32, #tpu.memory_space<hbm>>
    %dma_wait3A_943 = tpu.memref_squeeze %dma_wait3A_942 : memref<1x72x64xf32, #tpu.memory_space<hbm>> -> memref<72x64xf32, #tpu.memory_space<hbm>>
    %dma_wait3A_944 = arith.constant 0 : i32
    %dma_wait3A_945 = arith.constant 0 : i32
    %dma_wait3A_946 = tpu.memref_slice %arg10[%dma_wait3A_928, %dma_wait3A_944, %dma_wait3A_945] : memref<4x72x64xf32, #tpu.memory_space<vmem>> -> memref<1x72x64xf32, #tpu.memory_space<vmem>>
    %dma_wait3A_947 = tpu.memref_squeeze %dma_wait3A_946 : memref<1x72x64xf32, #tpu.memory_space<vmem>> -> memref<72x64xf32, #tpu.memory_space<vmem>>
    tpu.wait_dma2 semaphore(%dma_wait3A_939 : memref<!tpu.dma_semaphore, #tpu.memory_space<semaphore_mem>>) src(%dma_wait3A_947 : memref<72x64xf32, #tpu.memory_space<vmem>>) dst(%dma_wait3A_943 : memref<72x64xf32, #tpu.memory_space<hbm>>)
    return
  }
}

module attributes {stable_mosaic.version = 14 : i64} {
  func.func @_posseg_body(%arg0: memref<200x64xf32, #tpu.memory_space<vmem>>, %arg1: memref<3x64xf32, #tpu.memory_space<vmem>>, %arg2: memref<3x200x64xf32, #tpu.memory_space<vmem>>) attributes {dimension_semantics = [], scalar_prefetch = 0 : i64, scratch_operands = 0 : i64, tpu.core_type = #tpu.core_type<tc>} {
    %get3A = arith.constant 0 : index
    %get3A_0 = arith.constant 0 : index
    %get3A_1 = vector.load %arg1[%get3A, %get3A_0] : memref<3x64xf32, #tpu.memory_space<vmem>>, vector<3x64xf32>
    %get3A_2 = arith.constant 0 : index
    %get3A_3 = arith.constant 0 : index
    %get3A_4 = vector.load %arg0[%get3A_2, %get3A_3] : memref<200x64xf32, #tpu.memory_space<vmem>>, vector<200x64xf32>
    %broadcast_in_dim3A = vector.shape_cast %get3A_1 : vector<3x64xf32> to vector<3x1x64xf32>
    %broadcast_in_dim3A_5 = vector.shape_cast %get3A_4 : vector<200x64xf32> to vector<1x200x64xf32>
    %add3A = vector.broadcast %broadcast_in_dim3A : vector<3x1x64xf32> to vector<3x200x64xf32>
    %add3A_6 = vector.broadcast %broadcast_in_dim3A_5 : vector<1x200x64xf32> to vector<3x200x64xf32>
    %add3A_7 = arith.addf %add3A, %add3A_6 : vector<3x200x64xf32>
    %swap3A = arith.constant 0 : index
    %swap3A_8 = arith.constant 0 : index
    %swap3A_9 = arith.constant 0 : index
    %swap3A_10 = vector.load %arg2[%swap3A, %swap3A_8, %swap3A_9] : memref<3x200x64xf32, #tpu.memory_space<vmem>>, vector<3x200x64xf32>
    tpu.vector_store %arg2[%swap3A, %swap3A_8, %swap3A_9], %add3A_7 {strides = array<i32>} : memref<3x200x64xf32, #tpu.memory_space<vmem>>, vector<3x200x64xf32>,
    return
  }
}

</mosaic_0001>

<sc_bundles>
// kernel: kernel.4.cloned.1.call-start
scs
__scs_entry_jumppad:
0x0: {  	(pc) =	sbr.rel $0x88, $3  }
0x1: {  	(tag) =	ssettag $0x0;
	lr =	simm.s32 $0x1  }
0x2: {  	[smem:$0x3F9C] =	sst lr;
	_ =	strace $0xD0000000  }
0x3: {  	_ = 	snop  }
0x4: {  	_ = 	snop  }
0x5: {  	_ = 	snop  }
0x6: {  	_ = 	snop  }
0x7: {  	_ = 	snop  }
__scs_overlays_trampoline_lowered:
0x8: {  	[smem:$0x3FAB] =	sst s0  }
0x9: {  	[smem:$0x3FAC] =	sst s1  }
0xa: {  	[smem:$0x3FAD] =	sst s2  }
0xb: {  	[smem:$0x3FAE] =	sst s3  }
0xc: {  	[smem:$0x3FAF] =	sst s4  }
0xd: {  	[smem:$0x3FB0] =	sst s5  }
0xe: {  	[smem:$0x3FB1] =	sst s6  }
0xf: {  	[smem:$0x3FB2] =	sst s7  }
0x10: {  	[smem:$0x3FB3] =	sst s8  }
0x11: {  	[smem:$0x3FB4] =	sst s9;
	s0 =	simm.s32 @!p0 $0x0  }
0x12: {  	s1 =	sld [smem:$0x3F9A];
	s0 =	simm.s32 @p0 $0x1  }
0x13: {  	[smem:$0x3FB5] =	sst s0;
	s0 =	simm.s32 @!p1 $0x0  }
0x14: {  	s2 =	sld [smem:$0x3F99];
	s0 =	simm.s32 @p1 $0x1  }
0x15: {  	[smem:$0x3FB6] =	sst s0;
	s0 =	simm.s32 @!p2 $0x0  }
0x16: {  	s3 =	sld [smem:$0x3FDB];
	s0 =	simm.s32 @p2 $0x1  }
0x17: {  	s4 =	simm.s32 $0x1BF5;
	[smem:$0x3FB8] =	sst s0  }
0x18: {  	s0 =	sld [smem:$0x3F9B];
	_ =	swait.ge [sflag:s4], $0x0  }
0x19: {  	s7 =	sld [smem:$0x3F9C]  }
0x1a: {  	s8 =	sadd.s32 $0xFFFFE003, lr  }
0x1b: {  	s9 =	sadd.s32 $0xFFFFFEF7, lr;
	s5 =	simm.s32 $0xFFFFFFFF;
	p2 =	slt.u32 s8, $0xFFFFF086  }
0x1c: {  	p1 =	slt.u32 s9, $0xF7A;
	s5 =	simm.s32 @!p2 $0x0  }
0x1d: {  	s5 =	simm.s32 @p1 $0x1;
	p0 =	seq.s32 s7, s2  }
0x1e: {  	s7 =	smul.u32 @!p0 $0xF7A, s2;
	p2 =	seq.s32 @!p0 s5, $0x0  }
0x1f: {  	s9 =	smul.u32 $0xF7A, s1;
	s8 =	simm.s32 @!p0 $0x1BF5;
	p2 =	por !p2, p0  }
0x20: {  	[sflag:s8] =	ssyncset.s32 @!p0 $0xFFFFF086;
	s6 =	sadd.s32 @!p0 s3, s7;
	s7 =	simm.s32 @!p0 $0x108  }
0x21: {  	s3 =	sadd.s32 s3, s9;
	s6 =	sadd.s32 @!p0 $0x88, s6;
	s7 =	simm.s32 @p2 $0x1082  }
0x22: {  	[simem:s7], [sflag:s8] =	dma.local @!p0 [hbm:s6], $0xF7A  }
0x23: {  	s9 =	sor.u32 $0xD0000000, s2;
	s6 =	simm.s32 $0x108;
	_ =	swait.ge @!p0 [sflag:s8], $0x0  }
0x24: {  	s3 =	sadd.s32 $0x88, s3;
	s6 =	simm.s32 @!p1 $0x1082;
	[sflag:s4] =	ssyncset.s32 $0xFFFFF086  }
0x25: {  	[simem:s6], [sflag:s4] =	dma.local [hbm:s3], $0xF7A  }
0x26: {  	[smem:$0x3F9C] =	sst s1;
	(tag) =	ssettag s2;
	_ =	strace s9  }
0x27: {  	s1 =	sld [smem:$0x3FAC]  }
0x28: {  	s2 =	sld [smem:$0x3FAD]  }
0x29: {  	s4 =	sld [smem:$0x3FAF]  }
0x2a: {  	p0 =	seq.s32 s5, $0x0;
	s5 =	sld [smem:$0x3FB0]  }
0x2b: {  	s6 =	sld [smem:$0x3FB1]  }
0x2c: {  	s7 =	sld [smem:$0x3FB2]  }
0x2d: {  	s3 =	simm.s32 $0x108;
	s8 =	sld [smem:$0x3FB3]  }
0x2e: {  	s3 =	simm.s32 @!p0 $0x1082;
	s9 =	sld [smem:$0x3FB4]  }
0x2f: {  	lr =	sadd.s32 s0, s3;
	s0 =	sld [smem:$0x3FAB]  }
0x30: {  	s3 =	sld [smem:$0x3FAE]  }
0x31: {  	[smem:$0x3FB7] =	sst s10  }
0x32: {  	s10 =	sld [smem:$0x3FB5];
	_ =	sdelay $0x3  }
0x33: {  	p0 =	seq.s32 s10, $0x1;
	s10 =	sld [smem:$0x3FB7];
	_ =	sdelay $0x3  }
0x34: {  	[smem:$0x3FB7] =	sst s10  }
0x35: {  	s10 =	sld [smem:$0x3FB6];
	_ =	sdelay $0x3  }
0x36: {  	p1 =	seq.s32 s10, $0x1;
	s10 =	sld [smem:$0x3FB7];
	_ =	sdelay $0x3  }
0x37: {  	[smem:$0x3FB7] =	sst s10  }
0x38: {  	s10 =	sld [smem:$0x3FB8]  }
0x39: {  	_ = 	snop;
	(pc) =	sbr.ind lr, $3  }
0x3a: {  	_ = 	snop  }
0x3b: {  	_ = 	snop  }
0x3c: {  	p2 =	seq.s32 s10, $0x1;
	s10 =	sld [smem:$0x3FB7]  }
0x3d: {  	_ =	shalt  }
0x3e: {  	_ =	shalt  }
0x3f: {  	_ =	shalt  }
0x40: {  	_ =	shalt  }
0x41: {  	_ =	shalt  }
0x42: {  	_ =	shalt  }
0x43: {  	_ =	shalt  }
0x44: {  	_ =	shalt  }
0x45: {  	_ =	shalt  }
0x46: {  	_ =	shalt  }
0x47: {  	_ =	shalt  }
0x48: {  	_ =	shalt  }
0x49: {  	_ =	shalt  }
0x4a: {  	_ =	shalt  }
0x4b: {  	_ =	shalt  }
0x4c: {  	_ =	shalt  }
0x4d: {  	_ =	shalt  }
0x4e: {  	_ =	shalt  }
0x4f: {  	_ =	shalt  }
0x50: {  	_ =	shalt  }
0x51: {  	_ =	shalt  }
0x52: {  	_ =	shalt  }
0x53: {  	_ =	shalt  }
0x54: {  	_ =	shalt  }
0x55: {  	_ =	shalt  }
0x56: {  	_ =	shalt  }
0x57: {  	_ =	shalt  }
0x58: {  	_ =	shalt  }
0x59: {  	_ =	shalt  }
0x5a: {  	_ =	shalt  }
0x5b: {  	_ =	shalt  }
0x5c: {  	_ =	shalt  }
0x5d: {  	_ =	shalt  }
0x5e: {  	_ =	shalt  }
0x5f: {  	_ =	shalt  }
0x60: {  	_ =	shalt  }
0x61: {  	_ =	shalt  }
0x62: {  	_ =	shalt  }
0x63: {  	_ =	shalt  }
0x64: {  	_ =	shalt  }
0x65: {  	_ =	shalt  }
0x66: {  	_ =	shalt  }
0x67: {  	_ =	shalt  }
0x68: {  	_ =	shalt  }
0x69: {  	_ =	shalt  }
0x6a: {  	_ =	shalt  }
0x6b: {  	_ =	shalt  }
0x6c: {  	_ =	shalt  }
0x6d: {  	_ =	shalt  }
0x6e: {  	_ =	shalt  }
0x6f: {  	_ =	shalt  }
0x70: {  	_ =	shalt  }
0x71: {  	_ =	shalt  }
0x72: {  	_ =	shalt  }
0x73: {  	_ =	shalt  }
0x74: {  	_ =	shalt  }
0x75: {  	_ =	shalt  }
0x76: {  	_ =	shalt  }
0x77: {  	_ =	shalt  }
0x78: {  	_ =	shalt  }
0x79: {  	_ =	shalt  }
0x7a: {  	_ =	shalt  }
0x7b: {  	_ =	shalt  }
0x7c: {  	_ =	shalt  }
0x7d: {  	_ =	shalt  }
0x7e: {  	_ =	shalt  }
0x7f: {  	_ =	shalt  }
0x80: {  	_ =	shalt  }
0x81: {  	_ =	shalt  }
0x82: {  	_ =	shalt  }
0x83: {  	_ =	shalt  }
0x84: {  	_ =	shalt  }
0x85: {  	_ =	shalt  }
0x86: {  	_ =	shalt  }
0x87: {  	_ =	shalt  }
.Lfunc_end0:
.L_simem_size_0:
called_computation.1_lowered:
.L_overlay_start_0:
0x88: {  	s2 =	sld [smem:$0x3FD9]  }
0x89: {  	s3 =	sld [smem:$0x3FFE];
	_ =	sdelay $0x1  }
0x8a: {  	s1 =	srdreg.scid  }
0x8b: {  	s0 =	sand.u32 $0x1, s1  }
0x8c: {  	s17 =	sshll.u32 s0, $0xA;
	s2 =	sadd.s32 s3, s2  }
0x8d: {  	s2 =	sadd.s32 s2, s17  }
0x8e: {  	[smem:$0x3FC3] =	sst s2  }
0x8f: {  	_ = 	snop  }
0x90: {  	s2 =	sld [smem:$0x3FD0];
	(tm) =	ssettm $0x1  }
0x91: {  	s18 =	sld [smem:$0x3FFB];
	_ =	sdelay $0x3  }
0x92: {  	_ =	strace s18  }
0x93: {  	s3 =	sld [smem:$0x3FFC];
	_ =	sdelay $0x3  }
0x94: {  	_ =	strace s3  }
0x95: {  	s3 =	sld [smem:$0x3FFD];
	_ =	sdelay $0x3  }
0x96: {  	_ =	strace s3  }
0x97: {  	_ =	strace $0x8FFFFFFF  }
0x98: {  	s19 =	sld [smem:$0x3FDB];
	_ =	sdelay $0x1  }
0x99: {  	s4 =	simm.s32 $_scs_section_size  }
0x9a: {  	s5 =	simm.s32 $_size__tile_overlayer_lowered;
	s6 =	simm.s32 $_tile_overlayer_lowered  }
0x9b: {  	s22 =	simm.s32 $0x1BFF;
	s21 =	sshll.u32 s6, $0x1;
	s3 =	sadd.s32 s4, s19  }
0x9c: {  	s7 =	simm.s32 $0x0;
	s20 =	sshll.u32 s5, $0x1;
	s5 =	sadd.s32 s21, s3  }
0x9d: {  	[timem:s7], [sflag:s22] =	dma.local [hbm:s5], s20  }
0x9e: {  	_ =	swait.ge [sflag:s22], s20  }
0x9f: {  	s4 =	ssub.s32 $0x0, s20;
	[sflag:s22] =	ssyncset.done $0x0  }
0xa0: {  	[sflag:s22] =	ssyncadd.s32 s4;
	_ =	sdelay $0x1  }
0xa1: {  	s23 =	simm.s32 $0x1B8B  }
0xa2: {  	_ =	swait.ge [sflag:s23], $0x1  }
0xa3: {  	[sflag:s23] =	ssyncset.done $0x0  }
0xa4: {  	s25 =	simm.s32 $0x1B8E;
	s24 =	sld [smem:$0x3FFE];
	[sflag:s23] =	ssyncadd.s32 $0xFFFFFFFF  }
0xa5: {  	s26 =	simm.s32 $execute0_lowered;
	[smem:$0x3FD2] =	sst s25  }
0xa6: {  	s5 =	sshll.u32 s26, $0x1;
	_ =	strace $0x80000046;
	[dreg:$0x1] =	wrdreg $0xFFFFFFFF  }
0xa7: {  	s28 =	simm.s32 $_size_execute0_lowered;
	s3 =	sadd.s32 s3, s5;
	[dreg:$0x0] =	wrdreg $0x0  }
0xa8: {  	s5 =	sshll.u32 s28, $0x1;
	[dreg:$0x2] =	wrdreg s3  }
0xa9: {  	[dreg:$0x3] =	wrdreg s5  }
0xaa: {  	[dreg:$0x4] =	wrdreg $0xC0  }
0xab: {  	_ =	task [dreg:s7], $0x5FFFF  }
0xac: {  	[dreg:$0x1] =	wrdreg $0xFFFFFFFF  }
0xad: {  	[dreg:$0x0] =	wrdreg $0x60  }
0xae: {  	[dreg:$0x2] =	wrdreg s2  }
0xaf: {  	[dreg:$0x3] =	wrdreg s24  }
0xb0: {  	[dreg:$0x4] =	wrdreg $0x9  }
0xb1: {  	_ =	task.clear_ibuf [dreg:s7], $0x5FFFF;
	_ =	strace $0x90000046  }
0xb2: {  	s29 =	simm.s32 $0x9;
	_ =	strace $0x80000048  }
0xb3: {  	_ =	swait.ge [sflag:s29], $0x1  }
0xb4: {  	[sflag:s29] =	ssyncadd.s32 $0xFFFFFFFF  }
0xb5: {  	_ =	strace $0x90000048  }
0xb6: {  	_ =	sfence  }
0xb7: {  	s30 =	sld [smem:$0x0];
	_ =	sdelay $0x2  }
0xb8: {  	s31 =	sshll.u32 s1, $0xD;
	s1 =	sshrl.u32 s1, $0x2  }
0xb9: {  	s3 =	sand.u32 $0x4000, s31;
	s1 =	sadd.s32 s1, s30  }
0xba: {  	s0 =	sor.u32 s3, s0;
	s1 =	sshll.u32 s1, $0x11  }
0xbb: {  	s0 =	sor.u32 s1, s0  }
0xbc: {  	s0 =	sadd.s32 $0x8F2B, s0  }
0xbd: {  	[sflag:s0] =	ssyncadd.remote.s32 $0x1  }
0xbe: {  	_ =	sfence.sel $0xFFFF  }
0xbf: {  	[dreg:$0x0] =	wrdreg $0xFFFFFFFF;
	(pc) =	sbr.abs _section_cstart, $3  }
0xc0: {  	[dreg:$0x1] =	wrdreg $0xFFFFFFFF  }
0xc1: {  	_ =	task.clear_ibuf [dreg:s7], $0x2FFFF;
	_ =	strace $0x9FFFFFFF  }
0xc2: {  	(tm) =	ssettm $0x7FFFFFFF  }
0xc3: {  	_ =	shalt  }
tec
execute0_lowered:
.L_overlay_start_1:
0x0: {  	(tag) =	ssettag $0x1  }
0x1: {  	s3 =	rddreg [dreg:$0x0];
	s1 =	srdreg.scid  }
0x2: {  	s0 =	rddreg [dreg:$0x1];
	s10 =	stileid.u32;
	s4 =	sand.u32 $0x1, s1  }
0x3: {  	s2 =	simm.s32 $0x0;
	s14 =	sshll.u32 s10, $0x6;
	s5 =	sshll.u32 s4, $0x5  }
0x4: {  	s28 =	simm.s32 $0x18;
	s29 =	simm.s32 $0x0;
	s1 =	sor.u32 s5, s14  }
0x5: {  	[smem:$0x7FF] =	sst s2;
	s15 =	ssub.s32 $0x2, s4;
	s6 =	smul.u32 $0x19, s1  }
0x6: {  	s7 =	sadd.s32 $0x1000, s0;
	s8 =	sshrl.u32 s15, $0x1;
	s9 =	smul.u32 $0xC8, s1  }
0x7: {  	_ =	strace $0x80000047;
	s4 =	smul.u32 $0xC8000, s4;
	s1 =	ssub.s32 s15, s8  }
0x8: {  	s3 =	sadd.s32 s3, s6;
	s11 =	sadd.s32 s7, s6;
	s16 =	sshrl.u32 s9, $0x3  }
0x9: {  	s17 =	sadd.s32 $0x258, s9;
	s18 =	sadd.s32 $0x3E8, s9;
	s20 =	sadd.s32 $0x578, s9  }
0xa: {  	s21 =	sadd.s32 $0x708, s9;
	s22 =	sadd.s32 $0x898, s9;
	s26 =	sadd.s32 $0xA28, s9  }
0xb: {  	s30 =	sadd.s32 $0xBB8, s9;
	s31 =	sadd.s32 $0xD48, s9;
	s14 =	sadd.s32 $0xED8, s9  }
0xc: {  	s15 =	sadd.s32 $0x1068, s9;
	[dreg:$0x3] =	wrdreg s3;
	s3 =	sadd.s32 s7, s16  }
0xd: {  	s5 =	sshrl.u32 s17, $0x3;
	s6 =	sshrl.u32 s18, $0x3;
	s23 =	sshrl.u32 s21, $0x3  }
0xe: {  	s24 =	sshrl.u32 s22, $0x3;
	s12 =	sshrl.u32 s31, $0x3;
	s16 =	sadd.s32 $0x11F8, s9  }
0xf: {  	s17 =	sshrl.u32 s15, $0x3;
	[dreg:$0x4] =	wrdreg s11;
	s5 =	sadd.s32 s7, s5  }
0x10: {  	s21 =	sadd.s32 $0x1518, s9;
	s19 =	sadd.s32 s7, s6;
	[dreg:$0x5] =	wrdreg s5  }
0x11: {  	s22 =	smul.u32 $0x190000, s10;
	s25 =	sadd.s32 s7, s24;
	[dreg:$0x6] =	wrdreg s19  }
0x12: {  	s31 =	sadd.s32 $0x8800, s0;
	s13 =	sadd.s32 s7, s12;
	[dreg:$0x9] =	wrdreg s25  }
0x13: {  	s6 =	sshrl.u32 s30, $0x3;
	s8 =	sadd.s32 $0x32, s3;
	[dreg:$0xc] =	wrdreg s13  }
0x14: {  	s18 =	sshrl.u32 s16, $0x3;
	s10 =	sadd.s32 $0x96, s3;
	[dreg:$0x14] =	wrdreg s8  }
0x15: {  	s24 =	sadd.s32 $0x16A8, s9;
	s12 =	sadd.s32 $0xC8, s3;
	[dreg:$0x16] =	wrdreg s10  }
0x16: {  	s15 =	sadd.s32 $0x15E, s3;
	s16 =	sadd.s32 $0x190, s3;
	[dreg:$0x17] =	wrdreg s12  }
0x17: {  	s5 =	sshrl.u32 s20, $0x3;
	s19 =	sadd.s32 s7, s18;
	[dreg:$0x1a] =	wrdreg s15  }
0x18: {  	s20 =	sadd.s32 $0x1388, s9;
	s25 =	sadd.s32 $0x1838, s9;
	[dreg:$0x1b] =	wrdreg s16  }
0x19: {  	s4 =	sadd.s32 s4, s22;
	s9 =	sadd.s32 $0x64, s3;
	[dreg:$0xf] =	wrdreg s19  }
0x1a: {  	s22 =	sadd.s32 $0xF43400, s0;
	s13 =	sadd.s32 $0xFA, s3;
	[dreg:$0x15] =	wrdreg s9  }
0x1b: {  	s18 =	sadd.s32 $0x1F4, s3;
	s12 =	simm.s32 $0x19;
	[dreg:$0x18] =	wrdreg s13  }
0x1c: {  	s15 =	simm.s32 $0x40;
	s5 =	sadd.s32 s7, s5;
	[dreg:$0x1d] =	wrdreg s18  }
0x1d: {  	s30 =	sor.u32 $0x4000, s4;
	[dreg:$0x7] =	wrdreg s5;
	s5 =	sadd.s32 s7, s23  }
0x1e: {  	s19 =	sadd.s32 $0x226, s3;
	[dreg:$0x8] =	wrdreg s5;
	s5 =	sshrl.u32 s26, $0x3  }
0x1f: {  	s4 =	sshrl.u32 s4, $0x3;
	[dreg:$0x1e] =	wrdreg s19;
	s5 =	sadd.s32 s7, s5  }
0x20: {  	s13 =	simm.s32 $0x80;
	[dreg:$0xa] =	wrdreg s5;
	s5 =	sadd.s32 s7, s6  }
0x21: {  	s6 =	sshrl.u32 s25, $0x3;
	s25 =	sadd.s32 $0x2BC, s3;
	[dreg:$0xb] =	wrdreg s5  }
0x22: {  	s18 =	simm.s32 $0x12;
	s26 =	sadd.s32 s7, s6;
	[smem:$0x7FA] =	sst s25  }
0x23: {  	s5 =	sshrl.u32 s14, $0x3;
	s14 =	sadd.s32 $0x12C, s3;
	[dreg:$0x13] =	wrdreg s26  }
0x24: {  	s23 =	sshrl.u32 s21, $0x3;
	s5 =	sadd.s32 s7, s5;
	[dreg:$0x19] =	wrdreg s14  }
0x25: {  	s21 =	sadd.s32 s4, s31;
	s26 =	sadd.s32 $0x2EE, s3;
	[dreg:$0xd] =	wrdreg s5  }
0x26: {  	s19 =	simm.s32 $0x16;
	s5 =	sadd.s32 s7, s17;
	[smem:$0x7FB] =	sst s26  }
0x27: {  	s25 =	simm.s32 $0x17;
	s17 =	sadd.s32 $0x1C2, s3;
	[dreg:$0xe] =	wrdreg s5  }
0x28: {  	s5 =	sshrl.u32 s20, $0x3;
	[dreg:$0x1c] =	wrdreg s17;
	s20 =	sadd.s32 $0x258, s3  }
0x29: {  	s14 =	simm.s32 $0x48;
	s5 =	sadd.s32 s7, s5;
	[dreg:$0x1f] =	wrdreg s20  }
0x2a: {  	s26 =	simm.s32 $0x14;
	[dreg:$0x10] =	wrdreg s5;
	s5 =	sadd.s32 s7, s23  }
0x2b: {  	[dreg:$0x11] =	wrdreg s5;
	s5 =	sshrl.u32 s24, $0x3;
	s24 =	sadd.s32 $0x28A, s3  }
0x2c: {  	s17 =	simm.s32 $0x15;
	s5 =	sadd.s32 s7, s5;
	[smem:$0x7F9] =	sst s24  }
0x2d: {  	[dreg:$0x12] =	wrdreg s5;
	s5 =	sshrl.u32 s30, $0x3;
	s30 =	smax.u32 s1, $0x1  }
0x2e: {  	s7 =	sadd.s32 s5, s31;
	[smem:$0x7FC] =	sst s30;
	s31 =	sadd.s32 $0x19, s11  }
0x2f: {  	v0 =	vlaneseq.u32;
	s23 =	sadd.s32 $0x7400, s0;
	s24 =	simm.s32 $0x13;
	[smem:$0x7FD] =	sst s31  }
.LBB2_1:
0x30: {  	s0 =	rddreg [dreg:$0x3];
	s16 =	simm.s32 $0x1A  }
0x31: {  	[tilespmem:s2], [sflag:$0x1A] =	stream.linear.gather [hbm4b:s0+s2], $0x1900, $0x38;
	[tilespmem:$0xFA00] =	vst v63  }
0x32: {  	_ =	swait.ge [sflag:s16], $0x1900  }
0x33: {  	[sflag:s16] =	ssyncset.done $0x0;
	s20 =	rddreg [dreg:$0x4]  }
0x34: {  	s30 =	simm.s32 $0x1900;
	s31 =	sld [smem:$0x7FD];
	[sflag:s16] =	ssyncadd.s32 $0xFFFFE700  }
0x35: {  	[tilespmem:s30], [sflag:$0x19] =	stream.linear.gather [hbm4b:s20+s2], $0xC8, $0x38;
	[tilespmem:$0xFA00] =	vst v63  }
0x36: {  	s1 =	simm.s32 $0x19C8;
	s4 =	rddreg [dreg:$0x5]  }
0x37: {  	[tilespmem:s1], [sflag:$0x19] =	stream.linear.gather [hbm4b:s31+s2], $0xC8, $0x38;
	[tilespmem:$0xFA00] =	vst v63  }
0x38: {  	s3 =	simm.s32 $0x1A90;
	s1 =	rddreg [dreg:$0x14]  }
0x39: {  	[tilespmem:s3], [sflag:$0x19] =	stream.linear.gather [hbm4b:s1+s2], $0xC8, $0x38;
	[tilespmem:$0xFA00] =	vst v63  }
0x3a: {  	s5 =	simm.s32 $0x1B58;
	s6 =	rddreg [dreg:$0x15]  }
0x3b: {  	[tilespmem:s5], [sflag:$0x19] =	stream.linear.gather [hbm4b:s4+s2], $0xC8, $0x38;
	[tilespmem:$0xFA00] =	vst v63  }
0x3c: {  	s8 =	simm.s32 $0x1C20;
	s9 =	rddreg [dreg:$0x6]  }
0x3d: {  	[tilespmem:s8], [sflag:$0x19] =	stream.linear.gather [hbm4b:s6+s2], $0xC8, $0x38;
	[tilespmem:$0xFA00] =	vst v63  }
0x3e: {  	s10 =	simm.s32 $0x1CE8;
	s11 =	rddreg [dreg:$0x16]  }
0x3f: {  	[tilespmem:s10], [sflag:$0x19] =	stream.linear.gather [hbm4b:s9+s2], $0xC8, $0x38;
	[tilespmem:$0xFA00] =	vst v63  }
0x40: {  	s16 =	simm.s32 $0x1DB0;
	s20 =	rddreg [dreg:$0x7]  }
0x41: {  	[tilespmem:s16], [sflag:$0x19] =	stream.linear.gather [hbm4b:s11+s2], $0xC8, $0x38;
	[tilespmem:$0xFA00] =	vst v63  }
0x42: {  	s31 =	simm.s32 $0x1E78;
	s1 =	rddreg [dreg:$0x17]  }
0x43: {  	[tilespmem:s31], [sflag:$0x19] =	stream.linear.gather [hbm4b:s20+s2], $0xC8, $0x38;
	[tilespmem:$0xFA00] =	vst v63  }
0x44: {  	s3 =	simm.s32 $0x1F40;
	s4 =	rddreg [dreg:$0x8]  }
0x45: {  	[tilespmem:s3], [sflag:$0x19] =	stream.linear.gather [hbm4b:s1+s2], $0xC8, $0x38;
	[tilespmem:$0xFA00] =	vst v63  }
0x46: {  	s5 =	simm.s32 $0x2008;
	s6 =	rddreg [dreg:$0x18]  }
0x47: {  	[tilespmem:s5], [sflag:$0x19] =	stream.linear.gather [hbm4b:s4+s2], $0xC8, $0x38;
	[tilespmem:$0xFA00] =	vst v63  }
0x48: {  	s8 =	simm.s32 $0x20D0;
	s9 =	rddreg [dreg:$0x9]  }
0x49: {  	[tilespmem:s8], [sflag:$0x19] =	stream.linear.gather [hbm4b:s6+s2], $0xC8, $0x38;
	[tilespmem:$0xFA00] =	vst v63  }
0x4a: {  	s10 =	simm.s32 $0x2198;
	s11 =	rddreg [dreg:$0x19]  }
0x4b: {  	[tilespmem:s10], [sflag:$0x19] =	stream.linear.gather [hbm4b:s9+s2], $0xC8, $0x38;
	[tilespmem:$0xFA00] =	vst v63  }
0x4c: {  	s16 =	simm.s32 $0x2260;
	s20 =	rddreg [dreg:$0xa]  }
0x4d: {  	[tilespmem:s16], [sflag:$0x19] =	stream.linear.gather [hbm4b:s11+s2], $0xC8, $0x38;
	[tilespmem:$0xFA00] =	vst v63  }
0x4e: {  	s31 =	simm.s32 $0x2328;
	s1 =	rddreg [dreg:$0x1a]  }
0x4f: {  	[tilespmem:s31], [sflag:$0x19] =	stream.linear.gather [hbm4b:s20+s2], $0xC8, $0x38;
	[tilespmem:$0xFA00] =	vst v63  }
0x50: {  	s3 =	simm.s32 $0x23F0;
	s4 =	rddreg [dreg:$0xb]  }
0x51: {  	[tilespmem:s3], [sflag:$0x19] =	stream.linear.gather [hbm4b:s1+s2], $0xC8, $0x38;
	[tilespmem:$0xFA00] =	vst v63  }
0x52: {  	s5 =	simm.s32 $0x24B8;
	s6 =	rddreg [dreg:$0x1b]  }
0x53: {  	[tilespmem:s5], [sflag:$0x19] =	stream.linear.gather [hbm4b:s4+s2], $0xC8, $0x38;
	[tilespmem:$0xFA00] =	vst v63  }
0x54: {  	s8 =	simm.s32 $0x2580;
	s9 =	rddreg [dreg:$0xc]  }
0x55: {  	[tilespmem:s8], [sflag:$0x19] =	stream.linear.gather [hbm4b:s6+s2], $0xC8, $0x38;
	[tilespmem:$0xFA00] =	vst v63  }
0x56: {  	s10 =	simm.s32 $0x2648;
	s11 =	rddreg [dreg:$0x1c]  }
0x57: {  	[tilespmem:s10], [sflag:$0x19] =	stream.linear.gather [hbm4b:s9+s2], $0xC8, $0x38;
	[tilespmem:$0xFA00] =	vst v63  }
0x58: {  	s16 =	simm.s32 $0x2710;
	s20 =	rddreg [dreg:$0xd]  }
0x59: {  	[tilespmem:s16], [sflag:$0x19] =	stream.linear.gather [hbm4b:s11+s2], $0xC8, $0x38;
	[tilespmem:$0xFA00] =	vst v63  }
0x5a: {  	s31 =	simm.s32 $0x27D8;
	s1 =	rddreg [dreg:$0x1d]  }
0x5b: {  	[tilespmem:s31], [sflag:$0x19] =	stream.linear.gather [hbm4b:s20+s2], $0xC8, $0x38;
	[tilespmem:$0xFA00] =	vst v63  }
0x5c: {  	s3 =	simm.s32 $0x28A0;
	s4 =	rddreg [dreg:$0xe]  }
0x5d: {  	[tilespmem:s3], [sflag:$0x19] =	stream.linear.gather [hbm4b:s1+s2], $0xC8, $0x38;
	[tilespmem:$0xFA00] =	vst v63  }
0x5e: {  	s5 =	simm.s32 $0x2968;
	s6 =	rddreg [dreg:$0x1e]  }
0x5f: {  	[tilespmem:s5], [sflag:$0x19] =	stream.linear.gather [hbm4b:s4+s2], $0xC8, $0x38;
	[tilespmem:$0xFA00] =	vst v63  }
0x60: {  	s8 =	simm.s32 $0x2A30;
	s9 =	rddreg [dreg:$0xf]  }
0x61: {  	[tilespmem:s8], [sflag:$0x19] =	stream.linear.gather [hbm4b:s6+s2], $0xC8, $0x38;
	[tilespmem:$0xFA00] =	vst v63  }
0x62: {  	s10 =	simm.s32 $0x2AF8;
	s11 =	rddreg [dreg:$0x1f]  }
0x63: {  	[tilespmem:s10], [sflag:$0x19] =	stream.linear.gather [hbm4b:s9+s2], $0xC8, $0x38;
	[tilespmem:$0xFA00] =	vst v63  }
0x64: {  	s16 =	simm.s32 $0x2BC0;
	s20 =	rddreg [dreg:$0x10]  }
0x65: {  	[tilespmem:s16], [sflag:$0x19] =	stream.linear.gather [hbm4b:s11+s2], $0xC8, $0x38;
	[tilespmem:$0xFA00] =	vst v63  }
0x66: {  	s31 =	simm.s32 $0x2C88;
	s1 =	sld [smem:$0x7F9]  }
0x67: {  	[tilespmem:s31], [sflag:$0x19] =	stream.linear.gather [hbm4b:s20+s2], $0xC8, $0x38;
	[tilespmem:$0xFA00] =	vst v63  }
0x68: {  	s3 =	simm.s32 $0x2D50;
	s4 =	rddreg [dreg:$0x11]  }
0x69: {  	[tilespmem:s3], [sflag:$0x19] =	stream.linear.gather [hbm4b:s1+s2], $0xC8, $0x38;
	[tilespmem:$0xFA00] =	vst v63  }
0x6a: {  	s5 =	simm.s32 $0x2E18;
	s6 =	sld [smem:$0x7FA]  }
0x6b: {  	[tilespmem:s5], [sflag:$0x19] =	stream.linear.gather [hbm4b:s4+s2], $0xC8, $0x38;
	[tilespmem:$0xFA00] =	vst v63  }
0x6c: {  	s8 =	simm.s32 $0x2EE0;
	s9 =	rddreg [dreg:$0x12]  }
0x6d: {  	[tilespmem:s8], [sflag:$0x19] =	stream.linear.gather [hbm4b:s6+s2], $0xC8, $0x38;
	[tilespmem:$0xFA00] =	vst v63  }
0x6e: {  	s10 =	simm.s32 $0x2FA8;
	s11 =	sld [smem:$0x7FB]  }
0x6f: {  	[tilespmem:s10], [sflag:$0x19] =	stream.linear.gather [hbm4b:s9+s2], $0xC8, $0x38;
	[tilespmem:$0xFA00] =	vst v63  }
0x70: {  	s16 =	simm.s32 $0x3070  }
0x71: {  	[tilespmem:s16], [sflag:$0x19] =	stream.linear.gather [hbm4b:s11+s2], $0xC8, $0x38;
	[tilespmem:$0xFA00] =	vst v63  }
0x72: {  	s20 =	rddreg [dreg:$0x13];
	s31 =	simm.s32 $0x3138  }
0x73: {  	[tilespmem:s31], [sflag:$0x19] =	stream.linear.gather [hbm4b:s20+s2], $0xC8, $0x38;
	[tilespmem:$0xFA00] =	vst v63  }
0x74: {  	_ =	swait.ge [sflag:s12], $0xC8  }
0x75: {  	[sflag:s12] =	ssyncset.done $0x0  }
0x76: {  	[sflag:s12] =	ssyncadd.s32 $0xFFFFFF38  }
0x77: {  	_ =	swait.ge [sflag:s12], $0xC8  }
0x78: {  	[sflag:s12] =	ssyncset.done $0x0  }
0x79: {  	[sflag:s12] =	ssyncadd.s32 $0xFFFFFF38  }
0x7a: {  	_ =	swait.ge [sflag:s12], $0xC8  }
0x7b: {  	[sflag:s12] =	ssyncset.done $0x0  }
0x7c: {  	[sflag:s12] =	ssyncadd.s32 $0xFFFFFF38  }
0x7d: {  	_ =	swait.ge [sflag:s12], $0xC8  }
0x7e: {  	[sflag:s12] =	ssyncset.done $0x0  }
0x7f: {  	[sflag:s12] =	ssyncadd.s32 $0xFFFFFF38  }
0x80: {  	_ =	swait.ge [sflag:s12], $0xC8  }
0x81: {  	[sflag:s12] =	ssyncset.done $0x0  }
0x82: {  	[sflag:s12] =	ssyncadd.s32 $0xFFFFFF38  }
0x83: {  	_ =	swait.ge [sflag:s12], $0xC8  }
0x84: {  	[sflag:s12] =	ssyncset.done $0x0  }
0x85: {  	[sflag:s12] =	ssyncadd.s32 $0xFFFFFF38  }
0x86: {  	_ =	swait.ge [sflag:s12], $0xC8  }
0x87: {  	[sflag:s12] =	ssyncset.done $0x0  }
0x88: {  	[sflag:s12] =	ssyncadd.s32 $0xFFFFFF38  }
0x89: {  	_ =	swait.ge [sflag:s12], $0xC8  }
0x8a: {  	[sflag:s12] =	ssyncset.done $0x0  }
0x8b: {  	[sflag:s12] =	ssyncadd.s32 $0xFFFFFF38  }
0x8c: {  	_ =	swait.ge [sflag:s12], $0xC8  }
0x8d: {  	[sflag:s12] =	ssyncset.done $0x0  }
0x8e: {  	[sflag:s12] =	ssyncadd.s32 $0xFFFFFF38  }
0x8f: {  	_ =	swait.ge [sflag:s12], $0xC8  }
0x90: {  	[sflag:s12] =	ssyncset.done $0x0  }
0x91: {  	[sflag:s12] =	ssyncadd.s32 $0xFFFFFF38  }
0x92: {  	_ =	swait.ge [sflag:s12], $0xC8  }
0x93: {  	[sflag:s12] =	ssyncset.done $0x0  }
0x94: {  	[sflag:s12] =	ssyncadd.s32 $0xFFFFFF38  }
0x95: {  	_ =	swait.ge [sflag:s12], $0xC8  }
0x96: {  	[sflag:s12] =	ssyncset.done $0x0  }
0x97: {  	[sflag:s12] =	ssyncadd.s32 $0xFFFFFF38  }
0x98: {  	_ =	swait.ge [sflag:s12], $0xC8  }
0x99: {  	[sflag:s12] =	ssyncset.done $0x0  }
0x9a: {  	[sflag:s12] =	ssyncadd.s32 $0xFFFFFF38  }
0x9b: {  	_ =	swait.ge [sflag:s12], $0xC8  }
0x9c: {  	[sflag:s12] =	ssyncset.done $0x0  }
0x9d: {  	[sflag:s12] =	ssyncadd.s32 $0xFFFFFF38  }
0x9e: {  	_ =	swait.ge [sflag:s12], $0xC8  }
0x9f: {  	[sflag:s12] =	ssyncset.done $0x0  }
0xa0: {  	[sflag:s12] =	ssyncadd.s32 $0xFFFFFF38  }
0xa1: {  	_ =	swait.ge [sflag:s12], $0xC8  }
0xa2: {  	[sflag:s12] =	ssyncset.done $0x0  }
0xa3: {  	[sflag:s12] =	ssyncadd.s32 $0xFFFFFF38  }
0xa4: {  	_ =	swait.ge [sflag:s12], $0xC8  }
0xa5: {  	[sflag:s12] =	ssyncset.done $0x0  }
0xa6: {  	[sflag:s12] =	ssyncadd.s32 $0xFFFFFF38  }
0xa7: {  	_ =	swait.ge [sflag:s12], $0xC8  }
0xa8: {  	[sflag:s12] =	ssyncset.done $0x0  }
0xa9: {  	[sflag:s12] =	ssyncadd.s32 $0xFFFFFF38  }
0xaa: {  	_ =	swait.ge [sflag:s12], $0xC8  }
0xab: {  	[sflag:s12] =	ssyncset.done $0x0  }
0xac: {  	[sflag:s12] =	ssyncadd.s32 $0xFFFFFF38  }
0xad: {  	_ =	swait.ge [sflag:s12], $0xC8  }
0xae: {  	[sflag:s12] =	ssyncset.done $0x0  }
0xaf: {  	[sflag:s12] =	ssyncadd.s32 $0xFFFFFF38  }
0xb0: {  	_ =	swait.ge [sflag:s12], $0xC8  }
0xb1: {  	[sflag:s12] =	ssyncset.done $0x0  }
0xb2: {  	[sflag:s12] =	ssyncadd.s32 $0xFFFFFF38  }
0xb3: {  	_ =	swait.ge [sflag:s12], $0xC8  }
0xb4: {  	[sflag:s12] =	ssyncset.done $0x0  }
0xb5: {  	[sflag:s12] =	ssyncadd.s32 $0xFFFFFF38  }
0xb6: {  	_ =	swait.ge [sflag:s12], $0xC8  }
0xb7: {  	[sflag:s12] =	ssyncset.done $0x0  }
0xb8: {  	[sflag:s12] =	ssyncadd.s32 $0xFFFFFF38  }
0xb9: {  	_ =	swait.ge [sflag:s12], $0xC8  }
0xba: {  	[sflag:s12] =	ssyncset.done $0x0  }
0xbb: {  	[sflag:s12] =	ssyncadd.s32 $0xFFFFFF38  }
0xbc: {  	_ =	swait.ge [sflag:s12], $0xC8  }
0xbd: {  	[sflag:s12] =	ssyncset.done $0x0  }
0xbe: {  	[sflag:s12] =	ssyncadd.s32 $0xFFFFFF38  }
0xbf: {  	_ =	swait.ge [sflag:s12], $0xC8  }
0xc0: {  	[sflag:s12] =	ssyncset.done $0x0  }
0xc1: {  	[sflag:s12] =	ssyncadd.s32 $0xFFFFFF38  }
0xc2: {  	_ =	swait.ge [sflag:s12], $0xC8  }
0xc3: {  	[sflag:s12] =	ssyncset.done $0x0  }
0xc4: {  	[sflag:s12] =	ssyncadd.s32 $0xFFFFFF38  }
0xc5: {  	_ =	swait.ge [sflag:s12], $0xC8  }
0xc6: {  	[sflag:s12] =	ssyncset.done $0x0  }
0xc7: {  	[sflag:s12] =	ssyncadd.s32 $0xFFFFFF38  }
0xc8: {  	_ =	swait.ge [sflag:s12], $0xC8  }
0xc9: {  	[sflag:s12] =	ssyncset.done $0x0  }
0xca: {  	[sflag:s12] =	ssyncadd.s32 $0xFFFFFF38  }
0xcb: {  	_ =	swait.ge [sflag:s12], $0xC8  }
0xcc: {  	[sflag:s12] =	ssyncset.done $0x0  }
0xcd: {  	[sflag:s12] =	ssyncadd.s32 $0xFFFFFF38  }
0xce: {  	_ =	swait.ge [sflag:s12], $0xC8  }
0xcf: {  	[sflag:s12] =	ssyncset.done $0x0  }
0xd0: {  	[sflag:s12] =	ssyncadd.s32 $0xFFFFFF38  }
0xd1: {  	_ =	swait.ge [sflag:s12], $0xC8  }
0xd2: {  	[sflag:s12] =	ssyncset.done $0x0  }
0xd3: {  	[sflag:s12] =	ssyncadd.s32 $0xFFFFFF38  }
0xd4: {  	v1 =	vor.u32 s2, v0;
	s0 =	simm.s32 $0x10;
	v2 =	vld [tilespmem:s30+$0x0]  }
.LBB2_2:
0xd5: {  	p0 =	sne.s32 s0, $0x18F0;
	v3 =	vmulhi.u32 $0x51EB851F, v1;
	_ =	sdelay $0x1  }
0xd6: {  	v3 =	vshrl.u32 v3, $0x6  }
0xd7: {  	v3 =	vmul.u32 $0xC8, v3  }
.Ltmp0:
0xd8: {  	v2 =	vmul.u32 $0xC8, v2;
	(pc) =	sbr.rel @p0 .LBB2_2-.Ltmp0, $4  }
0xd9: {  	v1 =	vsub.s32 v1, v3  }
0xda: {  	v1 =	vadd.s32 v1, v2  }
0xdb: {  	[tilespmem:s30+$0x0] =	vst v1;
	s30 =	sadd.s32 $0x10, s30  }
0xdc: {  	v1 =	vor.u32 s0, v0;
	s0 =	sadd.s32 $0x10, s0;
	v2 =	vld [tilespmem:s30+$0x0]  }
0xdd: {  	v3 =	vmulhi.u32 $0x51EB851F, v1;
	_ =	sdelay $0x1  }
0xde: {  	v3 =	vshrl.u32 v3, $0x6  }
0xdf: {  	v3 =	vmul.u32 $0xC8, v3  }
0xe0: {  	v2 =	vmul.u32 $0xC8, v2  }
0xe1: {  	s0 =	simm.s32 $0x0;
	v1 =	vsub.s32 v1, v3  }
0xe2: {  	p0 =	por $0x1, $0x1;
	s0 =	sand.u32 $0x3, s0;
	v1 =	vadd.s32 v1, v2  }
0xe3: {  	s1 =	sadd.s32 @!p0 $0x11, s0;
	[tilespmem:s30+$0x0] =	vst v1  }
0xe4: {  	_ =	swait.ge @!p0 [sflag:s1], $0x2000  }
0xe5: {  	[sflag:s1] =	ssyncset.done @!p0 $0x0  }
0xe6: {  	[sflag:s1] =	ssyncadd.s32 @!p0 $0xFFFFE000;
	s1 =	sadd.s32 @!p0 $0x15, s0  }
0xe7: {  	s5 =	simm.s32 $0x0;
	s3 =	smul.u32 $0x4800, s0;
	_ =	swait.ge @!p0 [sflag:s1], $0x1200  }
0xe8: {  	s4 =	sshll.u32 s0, $0xD;
	s9 =	sadd.s32 $0x1, s0;
	[sflag:s1] =	ssyncset.done @!p0 $0x0  }
0xe9: {  	s4 =	sadd.s32 $0x3200, s4;
	s3 =	sshrl.u32 s3, $0x2;
	[sflag:s1] =	ssyncadd.s32 @!p0 $0xFFFFEE00  }
0xea: {  	[tilespmem:s4], [sflag:s9] =	stream.indirect.gather [hbm4b:s22+s13], $0x40, s5, s13, $0xb8;
	[tilespmem:$0xFA00] =	vst v63  }
0xeb: {  	s10 =	simm.s32 $0x80;
	s6 =	sadd.s32 $0x5, s0;
	s5 =	sadd.s32 $0xB200, s3  }
0xec: {  	[tilespmem:s5], [sflag:s6] =	stream.indirect.gather [hbm4b:s22+s14], $0x40, s10, s14, $0xb8;
	[tilespmem:$0xFA00] =	vst v63  }
0xed: {  	_ =	swait.ge [sflag:s9], $0x2000  }
0xee: {  	[sflag:s9] =	ssyncset.done $0x0  }
0xef: {  	s11 =	simm.s32 $0x1900;
	[sflag:s9] =	ssyncadd.s32 $0xFFFFE000;
	s9 =	sadd.s32 $0x9, s0  }
0xf0: {  	[tilespmem:s4], [sflag:s9] =	stream.indirect.gather.add.f32 [hbm:s23], $0x40, s11, s13, $0xb8;
	[tilespmem:$0xFA00] =	vst v63  }
0xf1: {  	_ =	swait.ge [sflag:s6], $0x1200  }
0xf2: {  	[sflag:s6] =	ssyncset.done $0x0  }
0xf3: {  	s16 =	simm.s32 $0x1980;
	s8 =	sadd.s32 $0xD, s0;
	[sflag:s6] =	ssyncadd.s32 $0xFFFFEE00  }
0xf4: {  	[tilespmem:s5], [sflag:s8] =	stream.indirect.gather.add.f32 [hbm:s23], $0x40, s16, s14, $0xb8;
	[tilespmem:$0xFA00] =	vst v63  }
0xf5: {  	s31 =	sadd.s32 $0xC80, s21;
	p1 =	por $0x1, $0x1;
	_ =	swait.ge [sflag:s9], $0x2000  }
0xf6: {  	s20 =	sadd.s32 $0x11, s0;
	s30 =	sadd.s32 $0xC80, s7;
	[sflag:s9] =	ssyncset.done $0x0  }
0xf7: {  	s1 =	simm.s32 $0x320;
	s3 =	simm.s32 $0x640;
	[sflag:s9] =	ssyncadd.s32 $0xFFFFE000  }
0xf8: {  	[hbm4b:s21+s15] =	stream.strided.scatter [tilespmem:s4], [sflag:s20], $0x2000, s13, s15, $0x38;
	[tilespmem:$0xFA00] =	vst v63  }
0xf9: {  	s6 =	simm.s32 $0x1;
	s9 =	sadd.s32 $0x15, s0;
	_ =	swait.ge [sflag:s8], $0x1200  }
0xfa: {  	s0 =	sand.u32 $0x3, s6;
	s20 =	smov.u32 s7;
	[sflag:s8] =	ssyncset.done $0x0  }
.LBB2_4:
0xfb: {  	s10 =	sadd.s32 @!p1 $0x11, s0;
	s11 =	smul.u32 $0x4800, s0  }
0xfc: {  	[sflag:s8] =	ssyncadd.s32 $0xFFFFEE00;
	s8 =	smov.u32 s3;
	s4 =	smov.u32 s31  }
0xfd: {  	[hbm4b:s20+s15] =	stream.strided.scatter [tilespmem:s5], [sflag:s9], $0x1200, s13, s15, $0x38;
	[tilespmem:$0xFA00] =	vst v63  }
0xfe: {  	s3 =	sadd.s32 $0x320, s3;
	_ =	swait.ge @!p1 [sflag:s10], $0x2000;
	s5 =	sshrl.u32 s11, $0x2  }
0xff: {  	p0 =	sne.s32 s3, $0x6400;
	s20 =	smov.u32 s30;
	[sflag:s10] =	ssyncset.done @!p1 $0x0  }
0x100: {  	s9 =	sadd.s32 @!p1 $0x15, s0;
	[sflag:s10] =	ssyncadd.s32 @!p1 $0xFFFFE000  }
0x101: {  	_ =	swait.ge @!p1 [sflag:s9], $0x1200  }
0x102: {  	s11 =	sshra.s32 s1, $0x2;
	s10 =	sshll.u32 s0, $0xD;
	[sflag:s9] =	ssyncset.done @!p1 $0x0  }
0x103: {  	[sflag:s9] =	ssyncadd.s32 @!p1 $0xFFFFEE00;
	s9 =	sadd.s32 $0x3200, s10;
	s10 =	sadd.s32 $0x1, s0  }
0x104: {  	[tilespmem:s9], [sflag:s10] =	stream.indirect.gather [hbm4b:s22+s13], $0x40, s11, s13, $0xb8;
	[tilespmem:$0xFA00] =	vst v63  }
0x105: {  	s16 =	sadd.s32 $0x5, s0;
	s5 =	sadd.s32 $0xB200, s5;
	s1 =	sadd.s32 $0x80, s11  }
0x106: {  	[tilespmem:s5], [sflag:s16] =	stream.indirect.gather [hbm4b:s22+s14], $0x40, s1, s14, $0xb8;
	[tilespmem:$0xFA00] =	vst v63  }
0x107: {  	s1 =	smov.u32 s8;
	_ =	swait.ge [sflag:s10], $0x2000  }
0x108: {  	[sflag:s10] =	ssyncset.done $0x0  }
0x109: {  	s8 =	sadd.s32 $0x1900, s11;
	[sflag:s10] =	ssyncadd.s32 $0xFFFFE000;
	s10 =	sadd.s32 $0x9, s0  }
0x10a: {  	[tilespmem:s9], [sflag:s10] =	stream.indirect.gather.add.f32 [hbm:s23], $0x40, s8, s13, $0xb8;
	[tilespmem:$0xFA00] =	vst v63  }
0x10b: {  	_ =	swait.ge [sflag:s16], $0x1200  }
0x10c: {  	[sflag:s16] =	ssyncset.done $0x0  }
0x10d: {  	s11 =	sadd.s32 $0x1980, s11;
	s8 =	sadd.s32 $0xD, s0;
	[sflag:s16] =	ssyncadd.s32 $0xFFFFEE00  }
0x10e: {  	[tilespmem:s5], [sflag:s8] =	stream.indirect.gather.add.f32 [hbm:s23], $0x40, s11, s14, $0xb8;
	[tilespmem:$0xFA00] =	vst v63  }
0x10f: {  	_ =	swait.ge [sflag:s10], $0x2000  }
.Ltmp1:
0x110: {  	s31 =	sadd.s32 $0xC80, s31;
	[sflag:s10] =	ssyncset.done $0x0;
	(pc) =	sbr.rel @p0 .LBB2_4-.Ltmp1, $4  }
0x111: {  	s30 =	sadd.s32 $0xC80, s30;
	[sflag:s10] =	ssyncadd.s32 $0xFFFFE000;
	s10 =	sadd.s32 $0x11, s0  }
0x112: {  	[hbm4b:s4+s15] =	stream.strided.scatter [tilespmem:s9], [sflag:s10], $0x2000, s13, s15, $0x38;
	[tilespmem:$0xFA00] =	vst v63  }
0x113: {  	s6 =	sadd.s32 $0x1, s6;
	s9 =	sadd.s32 $0x15, s0;
	_ =	swait.ge [sflag:s8], $0x1200  }
0x114: {  	p1 =	slt.u32 s6, $0x4;
	s0 =	sand.u32 $0x3, s6;
	[sflag:s8] =	ssyncset.done $0x0  }
0x115: {  	s3 =	sadd.s32 @!p1 $0x11, s0;
	[sflag:s8] =	ssyncadd.s32 $0xFFFFEE00  }
0x116: {  	[hbm4b:s20+s15] =	stream.strided.scatter [tilespmem:s5], [sflag:s9], $0x1200, s13, s15, $0x38;
	[tilespmem:$0xFA00] =	vst v63  }
0x117: {  	_ =	swait.ge @!p1 [sflag:s3], $0x2000  }
0x118: {  	[sflag:s3] =	ssyncset.done @!p1 $0x0  }
0x119: {  	[sflag:s3] =	ssyncadd.s32 @!p1 $0xFFFFE000;
	s3 =	sadd.s32 @!p1 $0x15, s0  }
0x11a: {  	s4 =	smul.u32 $0x4800, s0;
	s11 =	sshll.u32 s0, $0xD;
	_ =	swait.ge @!p1 [sflag:s3], $0x1200  }
0x11b: {  	s1 =	sshra.s32 s1, $0x2;
	s16 =	sadd.s32 $0x1, s0;
	[sflag:s3] =	ssyncset.done @!p1 $0x0  }
0x11c: {  	s4 =	sshrl.u32 s4, $0x2;
	[sflag:s3] =	ssyncadd.s32 @!p1 $0xFFFFEE00;
	s3 =	sadd.s32 $0x3200, s11  }
0x11d: {  	[tilespmem:s3], [sflag:s16] =	stream.indirect.gather [hbm4b:s22+s13], $0x40, s1, s13, $0xb8;
	[tilespmem:$0xFA00] =	vst v63  }
0x11e: {  	s6 =	sadd.s32 $0x80, s1;
	s20 =	sadd.s32 $0x5, s0;
	s4 =	sadd.s32 $0xB200, s4  }
0x11f: {  	[tilespmem:s4], [sflag:s20] =	stream.indirect.gather [hbm4b:s22+s14], $0x40, s6, s14, $0xb8;
	[tilespmem:$0xFA00] =	vst v63  }
0x120: {  	_ =	swait.ge [sflag:s16], $0x2000  }
0x121: {  	[sflag:s16] =	ssyncset.done $0x0  }
0x122: {  	s10 =	sadd.s32 $0x9, s0;
	s9 =	sadd.s32 $0x1900, s1;
	[sflag:s16] =	ssyncadd.s32 $0xFFFFE000  }
0x123: {  	[tilespmem:s3], [sflag:s10] =	stream.indirect.gather.add.f32 [hbm:s23], $0x40, s9, s13, $0xb8;
	[tilespmem:$0xFA00] =	vst v63  }
0x124: {  	_ =	swait.ge [sflag:s20], $0x1200  }
0x125: {  	[sflag:s20] =	ssyncset.done $0x0  }
0x126: {  	s11 =	sadd.s32 $0xD, s0;
	s1 =	sadd.s32 $0x1980, s1;
	[sflag:s20] =	ssyncadd.s32 $0xFFFFEE00  }
0x127: {  	[tilespmem:s4], [sflag:s11] =	stream.indirect.gather.add.f32 [hbm:s23], $0x40, s1, s14, $0xb8;
	[tilespmem:$0xFA00] =	vst v63  }
0x128: {  	_ =	swait.ge [sflag:s10], $0x2000  }
0x129: {  	[sflag:s10] =	ssyncset.done $0x0  }
0x12a: {  	s16 =	sadd.s32 $0x11, s0;
	[sflag:s10] =	ssyncadd.s32 $0xFFFFE000  }
0x12b: {  	[hbm4b:s31+s15] =	stream.strided.scatter [tilespmem:s3], [sflag:s16], $0x2000, s13, s15, $0x38;
	[tilespmem:$0xFA00] =	vst v63  }
0x12c: {  	_ =	swait.ge [sflag:s11], $0x1200  }
0x12d: {  	[sflag:s11] =	ssyncset.done $0x0  }
0x12e: {  	s20 =	sadd.s32 $0x15, s0;
	[sflag:s11] =	ssyncadd.s32 $0xFFFFEE00  }
0x12f: {  	[hbm4b:s30+s15] =	stream.strided.scatter [tilespmem:s4], [sflag:s20], $0x1200, s13, s15, $0x38;
	[tilespmem:$0xFA00] =	vst v63  }
0x130: {  	s30 =	simm.s32 $0x11  }
0x131: {  	_ =	swait.ge [sflag:s30], $0x2000  }
0x132: {  	[sflag:s30] =	ssyncset.done $0x0  }
0x133: {  	[sflag:s30] =	ssyncadd.s32 $0xFFFFE000  }
0x134: {  	_ =	swait.ge [sflag:s17], $0x1200  }
0x135: {  	[sflag:s17] =	ssyncset.done $0x0  }
0x136: {  	[sflag:s17] =	ssyncadd.s32 $0xFFFFEE00  }
0x137: {  	_ =	swait.ge [sflag:s18], $0x2000  }
0x138: {  	[sflag:s18] =	ssyncset.done $0x0  }
0x139: {  	[sflag:s18] =	ssyncadd.s32 $0xFFFFE000  }
0x13a: {  	_ =	swait.ge [sflag:s19], $0x1200  }
0x13b: {  	[sflag:s19] =	ssyncset.done $0x0  }
0x13c: {  	[sflag:s19] =	ssyncadd.s32 $0xFFFFEE00  }
0x13d: {  	_ =	swait.ge [sflag:s24], $0x2000  }
0x13e: {  	[sflag:s24] =	ssyncset.done $0x0  }
0x13f: {  	[sflag:s24] =	ssyncadd.s32 $0xFFFFE000  }
0x140: {  	_ =	swait.ge [sflag:s25], $0x1200  }
0x141: {  	[sflag:s25] =	ssyncset.done $0x0  }
0x142: {  	[sflag:s25] =	ssyncadd.s32 $0xFFFFEE00  }
0x143: {  	_ =	swait.ge [sflag:s26], $0x2000  }
0x144: {  	[sflag:s26] =	ssyncset.done $0x0  }
0x145: {  	[sflag:s26] =	ssyncadd.s32 $0xFFFFE000  }
0x146: {  	_ =	swait.ge [sflag:s28], $0x1200  }
0x147: {  	s31 =	sld [smem:$0x7FC];
	_ =	sdelay $0x1  }
0x148: {  	s29 =	sadd.s32 $0x1, s29  }
0x149: {  	p0 =	sne.s32 s29, s31  }
.Ltmp2:
0x14a: {  	_ = 	snop;
	(pc) =	sbr.rel @p0 .LBB2_1-.Ltmp2, $3  }
0x14b: {  	_ =	sdelay $0x1  }
0x14c: {  	[sflag:s28] =	ssyncset.done $0x0  }
0x14d: {  	[sflag:s28] =	ssyncadd.s32 $0xFFFFEE00  }
0x14e: {  	_ =	sfence.sel $0x180000  }
0x14f: {  	[bflag:$0x0] =	sbarrier.arrive $0xFFFF  }
0x150: {  	_ =	strace $0x90000047  }
0x151: {  	s0 =	stileid.u32;
	[bflag:$0x2] =	sbarrier.arrive $0xFFFF  }
0x152: {  	p0 =	sne.s32 s0, $0x0;
	s0 =	rddreg [dreg:$0x2]  }
0x153: {  	s0 =	sadd.s32 @!p0 $0x100000, s0  }
0x154: {  	[sflag:s0] =	ssyncadd.tile.s32 @!p0 $0x1;
	_ =	shalt  }
.Lfunc_end2:
_tile_overlayer_lowered:
.L_overlay_start_2:
0x155: {  	(tag) =	ssettag $0x2  }
0x156: {  	s0 =	rddreg [dreg:$0x0];
	s2 =	stileid.u32  }
0x157: {  	s1 =	rddreg [dreg:$0x1];
	p0 =	sne.s32 s2, $0x0  }
0x158: {  	s3 =	rddreg [dreg:$0x2];
	[bflag:$0x3] =	sbarrier.arrive $0xFFFF;
	s2 =	simm.s32 @!p0 $0x1C1A  }
0x159: {  	[timem:s3], [sflag:s2] =	dma.local @!p0 [hbm:s0], s1  }
0x15a: {  	s0 =	simm.s32 @!p0 $0x1A  }
0x15b: {  	_ =	swait.ge @!p0 [sflag:s0], s1  }
0x15c: {  	s1 =	ssub.s32 @!p0 $0x0, s1;
	[sflag:s0] =	ssyncset.done @!p0 $0x0  }
0x15d: {  	[sflag:s0] =	ssyncadd.s32 @!p0 s1  }
0x15e: {  	[bflag:$0x3] =	sbarrier.arrive $0xFFFF  }
0x15f: {  	_ =	shalt  }

// kernel: sparse-core-data-format-call.cloned.1.call-start
scs
called_computation_lowered:
.L_overlay_start_0:
0x0: {  	s2 =	sld [smem:$0x3FD9]  }
0x1: {  	s3 =	sld [smem:$0x3FFE];
	_ =	sdelay $0x1  }
0x2: {  	s1 =	srdreg.scid  }
0x3: {  	s0 =	sand.u32 $0x1, s1  }
0x4: {  	s18 =	sshll.u32 s0, $0xA;
	s2 =	sadd.s32 s3, s2  }
0x5: {  	s2 =	sadd.s32 s2, s18  }
0x6: {  	[smem:$0x3FC3] =	sst s2  }
0x7: {  	_ = 	snop  }
0x8: {  	s2 =	sld [smem:$0x3FD0];
	(tm) =	ssettm $0x1  }
0x9: {  	s19 =	sld [smem:$0x3FFB];
	_ =	sdelay $0x3  }
0xa: {  	_ =	strace s19  }
0xb: {  	s3 =	sld [smem:$0x3FFC];
	_ =	sdelay $0x3  }
0xc: {  	_ =	strace s3  }
0xd: {  	s3 =	sld [smem:$0x3FFD];
	_ =	sdelay $0x3  }
0xe: {  	_ =	strace s3  }
0xf: {  	_ =	strace $0x8FFFFFFF  }
0x10: {  	s20 =	sld [smem:$0x3FDB];
	_ =	sdelay $0x1  }
0x11: {  	s4 =	simm.s32 $_scs_section_size  }
0x12: {  	s5 =	simm.s32 $_size__tile_overlayer_lowered;
	s6 =	simm.s32 $_tile_overlayer_lowered  }
0x13: {  	s23 =	simm.s32 $0x1BFF;
	s22 =	sshll.u32 s6, $0x1;
	s3 =	sadd.s32 s4, s20  }
0x14: {  	s7 =	simm.s32 $0x0;
	s21 =	sshll.u32 s5, $0x1;
	s5 =	sadd.s32 s22, s3  }
0x15: {  	[timem:s7], [sflag:s23] =	dma.local [hbm:s5], s21  }
0x16: {  	_ =	swait.ge [sflag:s23], s21  }
0x17: {  	s4 =	ssub.s32 $0x0, s21;
	[sflag:s23] =	ssyncset.done $0x0  }
0x18: {  	[sflag:s23] =	ssyncadd.s32 s4;
	_ =	sdelay $0x1  }
0x19: {  	s24 =	simm.s32 $0x1B8B  }
0x1a: {  	_ =	swait.ge [sflag:s24], $0x1  }
0x1b: {  	[sflag:s24] =	ssyncset.done $0x0  }
0x1c: {  	s26 =	simm.s32 $0x1B8E;
	s25 =	sld [smem:$0x3FFE];
	[sflag:s24] =	ssyncadd.s32 $0xFFFFFFFF  }
0x1d: {  	s27 =	simm.s32 $execute0_lowered;
	[smem:$0x3FD2] =	sst s26  }
0x1e: {  	s5 =	sshll.u32 s27, $0x1;
	_ =	strace $0x80000049;
	[dreg:$0x1] =	wrdreg $0xFFFFFFFF  }
0x1f: {  	s28 =	simm.s32 $_size_execute0_lowered;
	s3 =	sadd.s32 s3, s5;
	[dreg:$0x0] =	wrdreg $0x0  }
0x20: {  	s5 =	sshll.u32 s28, $0x1;
	[dreg:$0x2] =	wrdreg s3  }
0x21: {  	[dreg:$0x3] =	wrdreg s5  }
0x22: {  	[dreg:$0x4] =	wrdreg $0xC0  }
0x23: {  	_ =	task [dreg:s7], $0x5FFFF  }
0x24: {  	[dreg:$0x1] =	wrdreg $0xFFFFFFFF  }
0x25: {  	[dreg:$0x0] =	wrdreg $0x60  }
0x26: {  	[dreg:$0x2] =	wrdreg s25  }
0x27: {  	[dreg:$0x3] =	wrdreg s2  }
0x28: {  	[dreg:$0x4] =	wrdreg $0x9  }
0x29: {  	_ =	task.clear_ibuf [dreg:s7], $0x5FFFF;
	_ =	strace $0x90000049  }
0x2a: {  	s29 =	simm.s32 $0x9;
	_ =	strace $0x8000004B  }
0x2b: {  	_ =	swait.ge [sflag:s29], $0x1  }
0x2c: {  	[sflag:s29] =	ssyncadd.s32 $0xFFFFFFFF  }
0x2d: {  	_ =	strace $0x9000004B  }
0x2e: {  	_ =	sfence  }
0x2f: {  	s30 =	sld [smem:$0x0];
	_ =	sdelay $0x2  }
0x30: {  	s31 =	sshll.u32 s1, $0xD;
	s1 =	sshrl.u32 s1, $0x2  }
0x31: {  	s3 =	sand.u32 $0x4000, s31;
	s1 =	sadd.s32 s1, s30  }
0x32: {  	s0 =	sor.u32 s3, s0;
	s1 =	sshll.u32 s1, $0x11  }
0x33: {  	s0 =	sor.u32 s1, s0  }
0x34: {  	s0 =	sadd.s32 $0x8F2B, s0  }
0x35: {  	[sflag:s0] =	ssyncadd.remote.s32 $0x1  }
0x36: {  	_ =	sfence.sel $0xFFFF  }
0x37: {  	[dreg:$0x0] =	wrdreg $0xFFFFFFFF;
	(pc) =	sbr.abs _section_cstart, $3  }
0x38: {  	[dreg:$0x1] =	wrdreg $0xFFFFFFFF  }
0x39: {  	_ =	task.clear_ibuf [dreg:s7], $0x2FFFF;
	_ =	strace $0x9FFFFFFF  }
0x3a: {  	(tm) =	ssettm $0x7FFFFFFF  }
0x3b: {  	_ =	shalt  }
tec
execute0_lowered:
.L_overlay_start_1:
0x0: {  	(tag) =	ssettag $0x1  }
0x1: {  	s0 =	stileid.u32;
	s6 =	rddreg [dreg:$0x0]  }
0x2: {  	s2 =	rddreg [dreg:$0x1];
	s5 =	srdreg.scid  }
0x3: {  	s31 =	simm.s32 $0x2;
	s13 =	simm.s32 $0x0;
	s1 =	sshll.u32 s0, $0x7  }
0x4: {  	s14 =	simm.s32 $0x0;
	s12 =	simm.s32 $0x0;
	s3 =	sand.u32 $0x380, s1  }
0x5: {  	s5 =	sshll.u32 s5, $0x4;
	s6 =	sadd.s32 $0x8800, s6;
	s4 =	ssub.s32 $0x400, s3  }
0x6: {  	s1 =	rddreg [dreg:$0x2];
	_ =	strace $0x8000004A;
	s7 =	sand.u32 $0x380, s4  }
0x7: {  	s5 =	sand.u32 $0x10, s5;
	p0 =	sne.s32 s7, $0x0;
	s7 =	simm.s32 $0x1  }
.Ltmp0:
0x8: {  	s8 =	sshrl.u32 s4, $0xA;
	s7 =	simm.s32 @!p0 $0x0;
	(pc) =	sbr.rel .LBB1_1-.Ltmp0, $4  }
0x9: {  	s9 =	sor.u32 s0, s5;
	s4 =	simm.s32 $0x1;
	s30 =	sadd.s32 s7, s8  }
0xa: {  	s11 =	smov.u32 s3;
	[sflag:s4] =	ssyncpa.u1 $0x0;
	s5 =	smul.u32 $0x32, s30  }
0xb: {  	[sflag:s31] =	ssyncpa.u1 $0x0;
	p0 =	por $0x0, $0x0;
	s7 =	sshrl.u32 s9, $0x3  }
0xc: {  	s9 =	simm.s32 $0x2000;
	s10 =	smov.u32 s7;
	s8 =	sor.u32 $0x1, s5  }
.LBB1_4:
0xd: {  	s17 =	sand.u32 $0x1F80, s14;
	s13 =	sshll.u32 s13, $0xD  }
0xe: {  	[tilespmem:s16+$0x810 ss:$0x81] =	vst.msk $0xffff, v2;
	s18 =	sshrl.u32 s14, $0x3;
	s31 =	sand.u32 $0x7, s14;
	s17 =	sadd.s32 s2, s17  }
0xf: {  	[tilespmem:s16+$0x1020 ss:$0x81] =	vst.msk $0xffff, v0;
	s18 =	sand.u32 $0xF, s18;
	s14 =	sshll.u32 s31, $0x12;
	s13 =	sadd.s32 s13, s17  }
0x10: {  	[tilespmem:s16+$0x0 ss:$0x81] =	vst.msk $0xffff, v1;
	s14 =	sor.u32 $0x400, s14;
	s13 =	sadd.s32 s18, s13  }
0x11: {  	[hbm4b:s13+s14] =	stream.strided.scatter [tilespmem:s15], [sflag:$0x2], $0x2000, s9, s14, $0x20;
	[tilespmem:$0x8080] =	vst v63  }
.LBB1_5:
0x12: {  	s15 =	sadd.s32 $0x4, s10  }
0x13: {  	s13 =	sadd.s32 $0x400, s11;
	s17 =	smov.u32 s11;
	p2 =	sgt.s32 s15, $0xC7  }
0x14: {  	s17 =	smov.u32 @p2 s13  }
0x15: {  	s15 =	smov.u32 @p2 s7;
	p2 =	sgt.s32 s17, $0x3FF  }
0x16: {  	s17 =	smov.u32 @p2 s3;
	p2 =	sne.s32 s12, s8  }
.Ltmp1:
0x17: {  	p1 =	slt.u32 s12, $0x2;
	(pc) =	sbr.rel @!p2 .LBB1_6-.Ltmp1, $4  }
0x18: {  	s16 =	simm.s32 @!p1 $0x2  }
0x19: {  	s14 =	smov.u32 s11;
	p0 =	por !p0, !p0;
	_ =	swait.ge @!p1 [sflag:s16], $0x2000  }
0x1a: {  	s13 =	smov.u32 s10;
	[sflag:s16] =	ssyncset.done @!p1 $0x0;
	s10 =	smov.u32 s15  }
0x1b: {  	s12 =	sadd.s32 $0x1, s12;
	[sflag:s16] =	ssyncadd.s32 @!p1 $0xFFFFE000;
	s11 =	smov.u32 s17  }
.LBB1_1:
0x1c: {  	p1 =	sge.u32 s12, s5  }
0x1d: {  	s15 =	sand.u32 @!p1 $0x1FFFFFF, s10  }
0x1e: {  	s16 =	smulhi.u32 @!p1 $0x147AE15, s15;
	_ =	sdelay $0x1  }
0x1f: {  	s16 =	smul.u32 @!p1 $0xC8, s16  }
0x20: {  	s17 =	sxor.u32 @!p1 $0xFFFFFFFF, s12;
	s18 =	smul.u32 @!p1 $0xC80, s11  }
0x21: {  	s31 =	sadd.s32 $0xFFFFFFFF, s12;
	s17 =	sshll.u32 @!p1 s17, $0xD;
	s15 =	ssub.s32 @!p1 s15, s16  }
0x22: {  	s16 =	sand.u32 @!p1 $0x2000, s17;
	s17 =	sadd.s32 @!p1 s6, s18;
	s15 =	sshll.u32 @!p1 s15, $0x4  }
0x23: {  	s18 =	simm.s32 @!p1 $0x6400;
	s15 =	sadd.s32 @!p1 s15, s17;
	s17 =	simm.s32 @!p1 $0x40  }
0x24: {  	[tilespmem:s16], [sflag:$0x1] =	stream.strided.gather @!p1 [hbm4b:s15+s17], $0x2000, s18, s17, $0x38;
	[tilespmem:$0x8080] =	vst v63  }
0x25: {  	p1 =	sge.u32 s31, s5  }
.Ltmp2:
0x26: {  	_ = 	snop;
	(pc) =	sbr.rel @p1 .LBB1_5-.Ltmp2, $1  }
0x27: {  	_ =	sdelay $0x3  }
0x28: {  	s15 =	simm.s32 $0x1  }
0x29: {  	_ =	swait.ge [sflag:s4], $0x2000;
	s15 =	simm.s32 @!p0 $0x0  }
0x2a: {  	[sflag:s4] =	ssyncset.done $0x0;
	s16 =	sshll.u32 s15, $0xD  }
0x2b: {  	[sflag:s4] =	ssyncadd.s32 $0xFFFFE000;
	s19 =	sor.u32 $0x20, s16  }
0x2c: {  	s15 =	smul.u32 $0x8100, s15;
	v3 =	vld [tilespmem:s19+$0x10]  }
0x2d: {  	s30 =	sand.u32 $0x1, s12;
	v2 =	vld [tilespmem:s19+$0xFFFFFFF0]  }
0x2e: {  	s16 =	smul.u32 $0x8100, s30;
	s15 =	sshrl.u32 s15, $0x2;
	v0 =	vld [tilespmem:s19+$0x0]  }
0x2f: {  	v1 =	vld [tilespmem:s19+$0xFFFFFFE0];
	s17 =	sor.u32 $0x4000, s15  }
0x30: {  	s31 =	sshrl.u32 s16, $0x2;
	s16 =	sadd.s32 $0x0, s17  }
0x31: {  	s18 =	simm.s32 $0x4;
	s19 =	sadd.s32 $0x40, s19;
	s15 =	sor.u32 $0x4000, s31;
	[tilespmem:s16+$0x1830 ss:$0x81] =	vst.msk $0xffff, v3  }
.LBB1_3:
0x32: {  	v3 =	vld [tilespmem:s19+$0x10];
	p1 =	sne.s32 s18, $0x1FC;
	[tilespmem:s16+$0x810 ss:$0x81] =	vst.msk $0xffff, v2;
	s20 =	smov.u32 s18;
	s18 =	sadd.s32 $0x4, s18  }
.Ltmp3:
0x33: {  	v2 =	vld [tilespmem:s19+$0xFFFFFFF0];
	[tilespmem:s16+$0x1020 ss:$0x81] =	vst.msk $0xffff, v0;
	(pc) =	sbr.rel @p1 .LBB1_3-.Ltmp3, $4  }
0x34: {  	v0 =	vld [tilespmem:s19+$0x0];
	[tilespmem:s16+$0x0 ss:$0x81] =	vst.msk $0xffff, v1  }
0x35: {  	s16 =	sshra.s32 s20, $0x2;
	v1 =	vld [tilespmem:s19+$0xFFFFFFE0]  }
0x36: {  	s16 =	sadd.s32 s16, s17  }
0x37: {  	s19 =	sadd.s32 $0x40, s19;
	[tilespmem:s16+$0x1830 ss:$0x81] =	vst.msk $0xffff, v3  }
.Ltmp4:
0x38: {  	_ = 	snop;
	(pc) =	sbr.rel .LBB1_4-.Ltmp4, $1  }
0x39: {  	_ =	sdelay $0x3  }
.LBB1_6:
0x3a: {  	_ =	sfence.sel $0x180000  }
0x3b: {  	s2 =	simm.s32 $0x1;
	[bflag:$0x0] =	sbarrier.arrive $0xFFFF  }
0x3c: {  	s31 =	simm.s32 $0x2;
	[sflag:s2] =	ssyncpa.u1 $0x1  }
0x3d: {  	[sflag:s31] =	ssyncpa.u1 $0x1  }
0x3e: {  	p0 =	sne.s32 s0, $0x0;
	_ =	strace $0x9000004A  }
0x3f: {  	s0 =	sadd.s32 @!p0 $0x100000, s1;
	[bflag:$0x2] =	sbarrier.arrive $0xFFFF  }
0x40: {  	[sflag:s0] =	ssyncadd.tile.s32 @!p0 $0x1;
	_ =	shalt  }
.Lfunc_end1:
_tile_overlayer_lowered:
.L_overlay_start_2:
0x41: {  	(tag) =	ssettag $0x2  }
0x42: {  	s0 =	rddreg [dreg:$0x0];
	s2 =	stileid.u32  }
0x43: {  	s1 =	rddreg [dreg:$0x1];
	p0 =	sne.s32 s2, $0x0  }
0x44: {  	s3 =	rddreg [dreg:$0x2];
	[bflag:$0x3] =	sbarrier.arrive $0xFFFF;
	s2 =	simm.s32 @!p0 $0x1C01  }
0x45: {  	[timem:s3], [sflag:s2] =	dma.local @!p0 [hbm:s0], s1  }
0x46: {  	s0 =	simm.s32 @!p0 $0x1  }
0x47: {  	_ =	swait.ge @!p0 [sflag:s0], s1  }
0x48: {  	s1 =	ssub.s32 @!p0 $0x0, s1;
	[sflag:s0] =	ssyncset.done @!p0 $0x0  }
0x49: {  	[sflag:s0] =	ssyncadd.s32 @!p0 s1  }
0x4a: {  	[bflag:$0x3] =	sbarrier.arrive $0xFFFF  }
0x4b: {  	_ =	shalt  }

</sc_bundles>
